<compile_context>
chip_gen: v7x
topology: tpu7x:2x2x1
jax: 0.10.2.dev20260603
libtpu: 0.0.44.dev20260713+nightly
codegen_flags: <defaults>
</compile_context>

<pallas_src>
import functools

import jax
import jax.numpy as jnp
import numpy as np
from jax import lax
from jax.experimental import pallas as pl
from jax.experimental.pallas import tpu as pltpu
from jax.experimental.pallas import tpu_sc as plsc
from jax.experimental import layout as jex_layout

B, C, A, D = 1024, 50, 4, 64
VOCAB0, VOCAB1 = 100000, 1000
CA = C * A

NC, NS = 2, 16
NW = NC * NS
BPW = B // NW
NB = 2
NCHUNK = BPW // NB
EV = NB * C


def _pos_encoding_np():
    pos = np.arange(C)[:, np.newaxis].astype(np.float32)
    i = np.arange(D)[np.newaxis, :].astype(np.float32)
    angle = pos / np.power(10000, 2.0 * (np.floor(i / 2.0)) / np.float32(D))
    angle[:, 0::2] = np.sin(angle[:, 0::2])
    angle[:, 1::2] = np.cos(angle[:, 1::2])
    return angle


_POS = _pos_encoding_np()


def _sc_body(idx0_hbm, idx1_hbm, num_hbm, ta_hbm, tr_hbm, pos_hbm,
             out_hbm, idx0_v, idx1_v, num_v, st0_v, st1_v, buf_v,
             pos_v, sem):
    wid = lax.axis_index("s") * NC + lax.axis_index("c")
    pltpu.sync_copy(pos_hbm, pos_v)

    def chunk(k, carry):
        b0 = wid * BPW + k * NB
        pltpu.sync_copy(idx0_hbm.at[pl.ds(b0, NB)], idx0_v)
        pltpu.sync_copy(idx1_hbm.at[pl.ds(b0, NB)], idx1_v)
        pltpu.sync_copy(num_hbm.at[pl.ds(b0, NB)], num_v)

        cps = []
        for b in range(NB):
            cps.append(pltpu.async_copy(
                ta_hbm.at[idx0_v.at[b]],
                st0_v.at[pl.ds(b * 56, 56)], sem))
            cps.append(pltpu.async_copy(
                tr_hbm.at[idx1_v.at[b]],
                st1_v.at[pl.ds(b * 56, 56)], sem))
        for cp in cps:
            cp.wait()

        def ev_body(c, carry2):
            pv = [pos_v[c, pl.ds(j * 16, 16)] for j in range(D // 16)]
            for b in range(NB):
                e = b * 56 + c
                bsp = jnp.full((16,), b, jnp.int32)
                csp = jnp.full((16,), 0, jnp.int32) + c
                n0 = plsc.load_gather(num_v, [bsp, csp])
                n1 = plsc.load_gather(num_v, [bsp, csp + 56])
                for j in range(D // 16):
                    p = pv[j]
                    v0 = st0_v[e, pl.ds(j * 16, 16)]
                    v1 = st1_v[e, pl.ds(j * 16, 16)]
                    buf_v[b, c * A, pl.ds(j * 16, 16)] = v0 + p
                    buf_v[b, c * A + 1, pl.ds(j * 16, 16)] = v1 + p
                    buf_v[b, c * A + 2, pl.ds(j * 16, 16)] = n0 + p
                    buf_v[b, c * A + 3, pl.ds(j * 16, 16)] = n1 + p
            return carry2

        lax.fori_loop(0, C, ev_body, 0)

        pltpu.sync_copy(buf_v, out_hbm.at[pl.ds(b0, NB)])
        return carry

    lax.fori_loop(0, NCHUNK, chunk, 0)


def kernel(inputs, table_activity, table_resource):
    pos = jnp.asarray(_POS)
    z6i = jnp.zeros((B, 6), jnp.int32)
    idx0 = jnp.concatenate([inputs[:, 0::4].astype(jnp.int32), z6i], axis=1)
    idx1 = jnp.concatenate([inputs[:, 1::4].astype(jnp.int32), z6i], axis=1)
    z6f = jnp.zeros((B, 6), jnp.float32)
    num = jnp.concatenate([inputs[:, 2::4], z6f, inputs[:, 3::4], z6f],
                          axis=1)
    ta128 = jnp.pad(table_activity, ((0, 0), (0, 128 - D)))
    tr128 = jnp.pad(table_resource, ((0, 0), (0, 128 - D)))
    mesh = plsc.VectorSubcoreMesh(core_axis_name="c", subcore_axis_name="s")
    k = functools.partial(
        pl.kernel,
        out_type=jax.ShapeDtypeStruct((B, CA, D), jnp.float32),
        mesh=mesh,
        compiler_params=pltpu.CompilerParams(use_tc_tiling_on_sc=True,
                                             needs_layout_passes=False),
        scratch_types=[
            pltpu.VMEM((NB, 56), jnp.int32),
            pltpu.VMEM((NB, 56), jnp.int32),
            pltpu.VMEM((NB, 112), jnp.float32),
            pltpu.VMEM((NB * 56, 128), jnp.float32),
            pltpu.VMEM((NB * 56, 128), jnp.float32),
            pltpu.VMEM((NB, CA, D), jnp.float32),
            pltpu.VMEM((C, D), jnp.float32),
            pltpu.SemaphoreType.DMA,
        ],
    )(_sc_body)
    out = k(idx0, idx1, num, ta128, tr128, pos)
    return jex_layout.with_layout_constraint(
        out, jex_layout.Layout(major_to_minor=(0, 1, 2)))

# --- scband reference (transcript-rebuilt; emitter-appended) ---
"""Pipeline reference for scband-transformer-word2-vec-encoder-80212809220417 (READ-ONLY COPY).

The authoritative reference and input builder live on the scoring server;
editing this copy changes nothing except your own understanding.
"""

import jax, jax.numpy as jnp
import numpy as np

B, C, A, D = 1024, 50, 4, 64
VOCAB0, VOCAB1 = 100000, 1000

def _positional_encoding(L, d):
    pos = np.arange(L)[:, np.newaxis].astype(np.float32)
    i = np.arange(d)[np.newaxis, :].astype(np.float32)
    angle = pos / np.power(10000, 2.0 * (np.floor(i / 2.0)) / np.float32(d))
    angle[:, 0::2] = np.sin(angle[:, 0::2])
    angle[:, 1::2] = np.cos(angle[:, 1::2])
    return jnp.asarray(angle[np.newaxis, ...], dtype=jnp.float32)

def _lookup(table, idx):
    # DenseHashTable semantics: missing keys -> zero default vector
    vocab = table.shape[0]
    valid = (idx >= 0) & (idx < vocab)
    emb = jnp.take(table, jnp.clip(idx, 0, vocab - 1), axis=0)
    return jnp.where(valid[:, None], emb, 0.0)

def setup_inputs(seed: int = 0) -> dict:
    key = jax.random.key(seed)
    k0, k1, k2, k3, k4 = jax.random.split(key, 5)
    cat0 = jax.random.randint(k0, (B, C), 0, VOCAB0).astype(jnp.float32)
    cat1 = jax.random.randint(k1, (B, C), 0, VOCAB1).astype(jnp.float32)
    num = jax.random.normal(k2, (B, C, 2), dtype=jnp.float32)
    # interleave per-event attributes: [activity, resource, amount, duration]
    inputs = jnp.concatenate([cat0[..., None], cat1[..., None], num], axis=-1).reshape(B, C * A)
    table_activity = jax.random.normal(k3, (VOCAB0, D), dtype=jnp.float32) * 0.02
    table_resource = jax.random.normal(k4, (VOCAB1, D), dtype=jnp.float32) * 0.02
    return {"inputs": inputs, "table_activity": table_activity, "table_resource": table_resource}

def reference(inputs, table_activity, table_resource):
    # reshape_to_attributes_first
    r = inputs.reshape(B, C, A).transpose(2, 1, 0).reshape(A, C * B)
    # expand_to_dim_model: unique(attribute_mask=[0,1,-1,-1]) -> groups [0],[1],[-1,-1]
    idx0 = r[0].astype(jnp.int32)
    e0 = _lookup(table_activity, idx0)[None, :, :]
    idx1 = r[1].astype(jnp.int32)
    e1 = _lookup(table_resource, idx1)[None, :, :]
    num = jnp.tile(r[2:4][:, :, None], (1, 1, D))
    stacked = jnp.concatenate([e0, e1, num], axis=0)  # (A, C*B, D)
    # reshape_to_batch_first
    out = stacked.reshape(A, C, B, D).transpose(2, 1, 0, 3).reshape(B, C * A, D)
    # event-level positional encoding repeated per attribute
    pos = jnp.repeat(_positional_encoding(C, D), A, axis=1)  # (1, C*A, D)
    return out + pos

if __name__ == "__main__":
    import jax
    _d = setup_inputs()
    print(jax.jit(kernel)(*tuple(_d.values())))

</pallas_src>

<mosaic_0001>
#map = affine_map<(d0, d1) -> (0, 0)>
#map1 = affine_map<(d0, d1) -> (0, 0, 0)>
module attributes {stable_mosaic.version = 14 : i64} {
  func.func @_sc_body(%arg0: i32, %arg1: i32, %arg2: memref<1024x56xi32, #tpu.memory_space<hbm>>, %arg3: memref<1024x56xi32, #tpu.memory_space<hbm>>, %arg4: memref<1024x112xf32, #tpu.memory_space<hbm>>, %arg5: memref<100000x128xf32, #tpu.memory_space<hbm>>, %arg6: memref<1000x128xf32, #tpu.memory_space<hbm>>, %arg7: memref<50x64xf32, #tpu.memory_space<hbm>>, %arg8: memref<1024x200x64xf32, #tpu.memory_space<hbm>>, %arg9: memref<2x56xi32, #tpu.memory_space<vmem>>, %arg10: memref<2x56xi32, #tpu.memory_space<vmem>>, %arg11: memref<2x112xf32, #tpu.memory_space<vmem>>, %arg12: memref<112x128xf32, #tpu.memory_space<vmem>>, %arg13: memref<112x128xf32, #tpu.memory_space<vmem>>, %arg14: memref<2x200x64xf32, #tpu.memory_space<vmem>>, %arg15: memref<50x64xf32, #tpu.memory_space<vmem>>, %arg16: memref<!tpu.dma_semaphore, #tpu.memory_space<semaphore_mem>>) attributes {dimension_semantics = [#tpu.dimension_semantics<core_parallel>, #tpu.dimension_semantics<subcore_parallel>], iteration_bounds = array<i64: 2, 16>, scalar_prefetch = 0 : i64, scratch_operands = 8 : i64, tpu.core_type = #tpu.core_type<sc_vector_subcore>, window_params = [{transform_indices = #map}, {transform_indices = #map}, {transform_indices = #map}, {transform_indices = #map}, {transform_indices = #map}, {transform_indices = #map}, {transform_indices = #map1}]} {
    %mul3A = arith.constant 2 : i32
    %mul3A_0 = arith.muli %arg1, %mul3A : i32
    %add3A = arith.addi %mul3A_0, %arg0 : i32
    "tpu.region"() ({
      %run_scoped3A = tpu.sem_alloc : memref<!tpu.dma_semaphore, #tpu.memory_space<semaphore_mem>>
      tpu.enqueue_dma source(%arg7 : memref<50x64xf32, #tpu.memory_space<hbm>>) target(%arg15 : memref<50x64xf32, #tpu.memory_space<vmem>>) target_semaphore(%run_scoped3A : memref<!tpu.dma_semaphore, #tpu.memory_space<semaphore_mem>>)
      tpu.wait_dma2 semaphore(%run_scoped3A : memref<!tpu.dma_semaphore, #tpu.memory_space<semaphore_mem>>) src(%arg7 : memref<50x64xf32, #tpu.memory_space<hbm>>) dst(%arg15 : memref<50x64xf32, #tpu.memory_space<vmem>>)
      tpu.yield
    }) : () -> ()
    %scan3A = arith.constant 0 : i32
    %scan3A_1 = arith.constant 0 : i32
    %scan3A_2 = arith.constant 16 : i32
    %scan3A_3 = arith.addi %scan3A_1, %scan3A_2 : i32
    %scan3A_4 = arith.constant 1 : i32
    scf.for %scan3A_6 = %scan3A_1 to %scan3A_3 step %scan3A_4  : i32 {
      %mul3A_7 = arith.constant 32 : i32
      %mul3A_8 = arith.muli %add3A, %mul3A_7 : i32
      %mul3A_9 = arith.constant 2 : i32
      %mul3A_10 = arith.muli %scan3A_6, %mul3A_9 : i32
      %add3A_11 = arith.addi %mul3A_8, %mul3A_10 : i32
      "tpu.region"() ({
        %run_scoped3A = tpu.sem_alloc : memref<!tpu.dma_semaphore, #tpu.memory_space<semaphore_mem>>
        %dma_start3A_96 = arith.constant 0 : i32
        %dma_start3A_97 = tpu.memref_slice %arg2[%add3A_11, %dma_start3A_96] : memref<1024x56xi32, #tpu.memory_space<hbm>> -> memref<2x56xi32, #tpu.memory_space<hbm>>
        %dma_start3A_98 = arith.constant 0 : i32
        %dma_start3A_99 = tpu.memref_slice %arg2[%add3A_11, %dma_start3A_98] : memref<1024x56xi32, #tpu.memory_space<hbm>> -> memref<2x56xi32, #tpu.memory_space<hbm>>
        tpu.enqueue_dma source(%dma_start3A_99 : memref<2x56xi32, #tpu.memory_space<hbm>>) target(%arg9 : memref<2x56xi32, #tpu.memory_space<vmem>>) target_semaphore(%run_scoped3A : memref<!tpu.dma_semaphore, #tpu.memory_space<semaphore_mem>>)
        %dma_wait3A_100 = arith.constant 0 : i32
        %dma_wait3A_101 = tpu.memref_slice %arg2[%add3A_11, %dma_wait3A_100] : memref<1024x56xi32, #tpu.memory_space<hbm>> -> memref<2x56xi32, #tpu.memory_space<hbm>>
        %dma_wait3A_102 = arith.constant 0 : i32
        %dma_wait3A_103 = tpu.memref_slice %arg2[%add3A_11, %dma_wait3A_102] : memref<1024x56xi32, #tpu.memory_space<hbm>> -> memref<2x56xi32, #tpu.memory_space<hbm>>
        tpu.wait_dma2 semaphore(%run_scoped3A : memref<!tpu.dma_semaphore, #tpu.memory_space<semaphore_mem>>) src(%dma_wait3A_103 : memref<2x56xi32, #tpu.memory_space<hbm>>) dst(%arg9 : memref<2x56xi32, #tpu.memory_space<vmem>>)
        tpu.yield
      }) : () -> ()
      "tpu.region"() ({
        %run_scoped3A = tpu.sem_alloc : memref<!tpu.dma_semaphore, #tpu.memory_space<semaphore_mem>>
        %dma_start3A_96 = arith.constant 0 : i32
        %dma_start3A_97 = tpu.memref_slice %arg3[%add3A_11, %dma_start3A_96] : memref<1024x56xi32, #tpu.memory_space<hbm>> -> memref<2x56xi32, #tpu.memory_space<hbm>>
        %dma_start3A_98 = arith.constant 0 : i32
        %dma_start3A_99 = tpu.memref_slice %arg3[%add3A_11, %dma_start3A_98] : memref<1024x56xi32, #tpu.memory_space<hbm>> -> memref<2x56xi32, #tpu.memory_space<hbm>>
        tpu.enqueue_dma source(%dma_start3A_99 : memref<2x56xi32, #tpu.memory_space<hbm>>) target(%arg10 : memref<2x56xi32, #tpu.memory_space<vmem>>) target_semaphore(%run_scoped3A : memref<!tpu.dma_semaphore, #tpu.memory_space<semaphore_mem>>)
        %dma_wait3A_100 = arith.constant 0 : i32
        %dma_wait3A_101 = tpu.memref_slice %arg3[%add3A_11, %dma_wait3A_100] : memref<1024x56xi32, #tpu.memory_space<hbm>> -> memref<2x56xi32, #tpu.memory_space<hbm>>
        %dma_wait3A_102 = arith.constant 0 : i32
        %dma_wait3A_103 = tpu.memref_slice %arg3[%add3A_11, %dma_wait3A_102] : memref<1024x56xi32, #tpu.memory_space<hbm>> -> memref<2x56xi32, #tpu.memory_space<hbm>>
        tpu.wait_dma2 semaphore(%run_scoped3A : memref<!tpu.dma_semaphore, #tpu.memory_space<semaphore_mem>>) src(%dma_wait3A_103 : memref<2x56xi32, #tpu.memory_space<hbm>>) dst(%arg10 : memref<2x56xi32, #tpu.memory_space<vmem>>)
        tpu.yield
      }) : () -> ()
      "tpu.region"() ({
        %run_scoped3A = tpu.sem_alloc : memref<!tpu.dma_semaphore, #tpu.memory_space<semaphore_mem>>
        %dma_start3A_96 = arith.constant 0 : i32
        %dma_start3A_97 = tpu.memref_slice %arg4[%add3A_11, %dma_start3A_96] : memref<1024x112xf32, #tpu.memory_space<hbm>> -> memref<2x112xf32, #tpu.memory_space<hbm>>
        %dma_start3A_98 = arith.constant 0 : i32
        %dma_start3A_99 = tpu.memref_slice %arg4[%add3A_11, %dma_start3A_98] : memref<1024x112xf32, #tpu.memory_space<hbm>> -> memref<2x112xf32, #tpu.memory_space<hbm>>
        tpu.enqueue_dma source(%dma_start3A_99 : memref<2x112xf32, #tpu.memory_space<hbm>>) target(%arg11 : memref<2x112xf32, #tpu.memory_space<vmem>>) target_semaphore(%run_scoped3A : memref<!tpu.dma_semaphore, #tpu.memory_space<semaphore_mem>>)
        %dma_wait3A_100 = arith.constant 0 : i32
        %dma_wait3A_101 = tpu.memref_slice %arg4[%add3A_11, %dma_wait3A_100] : memref<1024x112xf32, #tpu.memory_space<hbm>> -> memref<2x112xf32, #tpu.memory_space<hbm>>
        %dma_wait3A_102 = arith.constant 0 : i32
        %dma_wait3A_103 = tpu.memref_slice %arg4[%add3A_11, %dma_wait3A_102] : memref<1024x112xf32, #tpu.memory_space<hbm>> -> memref<2x112xf32, #tpu.memory_space<hbm>>
        tpu.wait_dma2 semaphore(%run_scoped3A : memref<!tpu.dma_semaphore, #tpu.memory_space<semaphore_mem>>) src(%dma_wait3A_103 : memref<2x112xf32, #tpu.memory_space<hbm>>) dst(%arg11 : memref<2x112xf32, #tpu.memory_space<vmem>>)
        tpu.yield
      }) : () -> ()
      %dma_start3A = arith.constant 0 : i32
      %dma_start3A_12 = arith.constant 0 : i32
      %dma_start3A_13 = arith.constant 0 : i32
      %dma_start3A_14 = tpu.memref_slice %arg12[%dma_start3A_12, %dma_start3A_13] : memref<112x128xf32, #tpu.memory_space<vmem>> -> memref<56x128xf32, #tpu.memory_space<vmem>>
      %dma_start3A_15 = arith.constant 0 : i32
      %dma_start3A_16 = tpu.memref_slice %arg9[%dma_start3A, %dma_start3A_15] : memref<2x56xi32, #tpu.memory_space<vmem>> -> memref<1x56xi32, #tpu.memory_space<vmem>>
      %dma_start3A_17 = tpu.memref_squeeze %dma_start3A_16 : memref<1x56xi32, #tpu.memory_space<vmem>> -> memref<56xi32, #tpu.memory_space<vmem>>
      %dma_start3A_18 = arith.constant 0 : i32
      %dma_start3A_19 = arith.constant 0 : i32
      %dma_start3A_20 = tpu.memref_slice %arg5[%dma_start3A_18, %dma_start3A_19] : memref<100000x128xf32, #tpu.memory_space<hbm>> -> memref<100000x128xf32, #tpu.memory_space<hbm>>
      tpu.enqueue_indirect_dma source(%dma_start3A_20 : memref<100000x128xf32, #tpu.memory_space<hbm>>) target(%dma_start3A_14 : memref<56x128xf32, #tpu.memory_space<vmem>>) offsets(%dma_start3A_17 : memref<56xi32, #tpu.memory_space<vmem>>) semaphore(%arg16 : memref<!tpu.dma_semaphore, #tpu.memory_space<semaphore_mem>>)
      %dma_start3A_21 = arith.constant 0 : i32
      %dma_start3A_22 = arith.constant 0 : i32
      %dma_start3A_23 = arith.constant 0 : i32
      %dma_start3A_24 = tpu.memref_slice %arg13[%dma_start3A_22, %dma_start3A_23] : memref<112x128xf32, #tpu.memory_space<vmem>> -> memref<56x128xf32, #tpu.memory_space<vmem>>
      %dma_start3A_25 = arith.constant 0 : i32
      %dma_start3A_26 = tpu.memref_slice %arg10[%dma_start3A_21, %dma_start3A_25] : memref<2x56xi32, #tpu.memory_space<vmem>> -> memref<1x56xi32, #tpu.memory_space<vmem>>
      %dma_start3A_27 = tpu.memref_squeeze %dma_start3A_26 : memref<1x56xi32, #tpu.memory_space<vmem>> -> memref<56xi32, #tpu.memory_space<vmem>>
      %dma_start3A_28 = arith.constant 0 : i32
      %dma_start3A_29 = arith.constant 0 : i32
      %dma_start3A_30 = tpu.memref_slice %arg6[%dma_start3A_28, %dma_start3A_29] : memref<1000x128xf32, #tpu.memory_space<hbm>> -> memref<1000x128xf32, #tpu.memory_space<hbm>>
      tpu.enqueue_indirect_dma source(%dma_start3A_30 : memref<1000x128xf32, #tpu.memory_space<hbm>>) target(%dma_start3A_24 : memref<56x128xf32, #tpu.memory_space<vmem>>) offsets(%dma_start3A_27 : memref<56xi32, #tpu.memory_space<vmem>>) semaphore(%arg16 : memref<!tpu.dma_semaphore, #tpu.memory_space<semaphore_mem>>)
      %dma_start3A_31 = arith.constant 1 : i32
      %dma_start3A_32 = arith.constant 56 : i32
      %dma_start3A_33 = arith.constant 0 : i32
      %dma_start3A_34 = tpu.memref_slice %arg12[%dma_start3A_32, %dma_start3A_33] : memref<112x128xf32, #tpu.memory_space<vmem>> -> memref<56x128xf32, #tpu.memory_space<vmem>>
      %dma_start3A_35 = arith.constant 0 : i32
      %dma_start3A_36 = tpu.memref_slice %arg9[%dma_start3A_31, %dma_start3A_35] : memref<2x56xi32, #tpu.memory_space<vmem>> -> memref<1x56xi32, #tpu.memory_space<vmem>>
      %dma_start3A_37 = tpu.memref_squeeze %dma_start3A_36 : memref<1x56xi32, #tpu.memory_space<vmem>> -> memref<56xi32, #tpu.memory_space<vmem>>
      %dma_start3A_38 = arith.constant 0 : i32
      %dma_start3A_39 = arith.constant 0 : i32
      %dma_start3A_40 = tpu.memref_slice %arg5[%dma_start3A_38, %dma_start3A_39] : memref<100000x128xf32, #tpu.memory_space<hbm>> -> memref<100000x128xf32, #tpu.memory_space<hbm>>
      tpu.enqueue_indirect_dma source(%dma_start3A_40 : memref<100000x128xf32, #tpu.memory_space<hbm>>) target(%dma_start3A_34 : memref<56x128xf32, #tpu.memory_space<vmem>>) offsets(%dma_start3A_37 : memref<56xi32, #tpu.memory_space<vmem>>) semaphore(%arg16 : memref<!tpu.dma_semaphore, #tpu.memory_space<semaphore_mem>>)
      %dma_start3A_41 = arith.constant 1 : i32
      %dma_start3A_42 = arith.constant 56 : i32
      %dma_start3A_43 = arith.constant 0 : i32
      %dma_start3A_44 = tpu.memref_slice %arg13[%dma_start3A_42, %dma_start3A_43] : memref<112x128xf32, #tpu.memory_space<vmem>> -> memref<56x128xf32, #tpu.memory_space<vmem>>
      %dma_start3A_45 = arith.constant 0 : i32
      %dma_start3A_46 = tpu.memref_slice %arg10[%dma_start3A_41, %dma_start3A_45] : memref<2x56xi32, #tpu.memory_space<vmem>> -> memref<1x56xi32, #tpu.memory_space<vmem>>
      %dma_start3A_47 = tpu.memref_squeeze %dma_start3A_46 : memref<1x56xi32, #tpu.memory_space<vmem>> -> memref<56xi32, #tpu.memory_space<vmem>>
      %dma_start3A_48 = arith.constant 0 : i32
      %dma_start3A_49 = arith.constant 0 : i32
      %dma_start3A_50 = tpu.memref_slice %arg6[%dma_start3A_48, %dma_start3A_49] : memref<1000x128xf32, #tpu.memory_space<hbm>> -> memref<1000x128xf32, #tpu.memory_space<hbm>>
      tpu.enqueue_indirect_dma source(%dma_start3A_50 : memref<1000x128xf32, #tpu.memory_space<hbm>>) target(%dma_start3A_44 : memref<56x128xf32, #tpu.memory_space<vmem>>) offsets(%dma_start3A_47 : memref<56xi32, #tpu.memory_space<vmem>>) semaphore(%arg16 : memref<!tpu.dma_semaphore, #tpu.memory_space<semaphore_mem>>)
      %dma_wait3A = arith.constant 0 : i32
      %dma_wait3A_51 = arith.constant 0 : i32
      %dma_wait3A_52 = arith.constant 0 : i32
      %dma_wait3A_53 = tpu.memref_slice %arg12[%dma_wait3A_51, %dma_wait3A_52] : memref<112x128xf32, #tpu.memory_space<vmem>> -> memref<56x128xf32, #tpu.memory_space<vmem>>
      %dma_wait3A_54 = arith.constant 0 : i32
      %dma_wait3A_55 = tpu.memref_slice %arg9[%dma_wait3A, %dma_wait3A_54] : memref<2x56xi32, #tpu.memory_space<vmem>> -> memref<1x56xi32, #tpu.memory_space<vmem>>
      %dma_wait3A_56 = tpu.memref_squeeze %dma_wait3A_55 : memref<1x56xi32, #tpu.memory_space<vmem>> -> memref<56xi32, #tpu.memory_space<vmem>>
      %dma_wait3A_57 = arith.constant 0 : i32
      %dma_wait3A_58 = arith.constant 0 : i32
      %dma_wait3A_59 = tpu.memref_slice %arg5[%dma_wait3A_57, %dma_wait3A_58] : memref<100000x128xf32, #tpu.memory_space<hbm>> -> memref<100000x128xf32, #tpu.memory_space<hbm>>
      tpu.wait_indirect_dma semaphore(%arg16 : memref<!tpu.dma_semaphore, #tpu.memory_space<semaphore_mem>>) src(%dma_wait3A_59 : memref<100000x128xf32, #tpu.memory_space<hbm>>) dst(%dma_wait3A_53 : memref<56x128xf32, #tpu.memory_space<vmem>>)
      %dma_wait3A_60 = arith.constant 0 : i32
      %dma_wait3A_61 = arith.constant 0 : i32
      %dma_wait3A_62 = arith.constant 0 : i32
      %dma_wait3A_63 = tpu.memref_slice %arg13[%dma_wait3A_61, %dma_wait3A_62] : memref<112x128xf32, #tpu.memory_space<vmem>> -> memref<56x128xf32, #tpu.memory_space<vmem>>
      %dma_wait3A_64 = arith.constant 0 : i32
      %dma_wait3A_65 = tpu.memref_slice %arg10[%dma_wait3A_60, %dma_wait3A_64] : memref<2x56xi32, #tpu.memory_space<vmem>> -> memref<1x56xi32, #tpu.memory_space<vmem>>
      %dma_wait3A_66 = tpu.memref_squeeze %dma_wait3A_65 : memref<1x56xi32, #tpu.memory_space<vmem>> -> memref<56xi32, #tpu.memory_space<vmem>>
      %dma_wait3A_67 = arith.constant 0 : i32
      %dma_wait3A_68 = arith.constant 0 : i32
      %dma_wait3A_69 = tpu.memref_slice %arg6[%dma_wait3A_67, %dma_wait3A_68] : memref<1000x128xf32, #tpu.memory_space<hbm>> -> memref<1000x128xf32, #tpu.memory_space<hbm>>
      tpu.wait_indirect_dma semaphore(%arg16 : memref<!tpu.dma_semaphore, #tpu.memory_space<semaphore_mem>>) src(%dma_wait3A_69 : memref<1000x128xf32, #tpu.memory_space<hbm>>) dst(%dma_wait3A_63 : memref<56x128xf32, #tpu.memory_space<vmem>>)
      %dma_wait3A_70 = arith.constant 1 : i32
      %dma_wait3A_71 = arith.constant 56 : i32
      %dma_wait3A_72 = arith.constant 0 : i32
      %dma_wait3A_73 = tpu.memref_slice %arg12[%dma_wait3A_71, %dma_wait3A_72] : memref<112x128xf32, #tpu.memory_space<vmem>> -> memref<56x128xf32, #tpu.memory_space<vmem>>
      %dma_wait3A_74 = arith.constant 0 : i32
      %dma_wait3A_75 = tpu.memref_slice %arg9[%dma_wait3A_70, %dma_wait3A_74] : memref<2x56xi32, #tpu.memory_space<vmem>> -> memref<1x56xi32, #tpu.memory_space<vmem>>
      %dma_wait3A_76 = tpu.memref_squeeze %dma_wait3A_75 : memref<1x56xi32, #tpu.memory_space<vmem>> -> memref<56xi32, #tpu.memory_space<vmem>>
      %dma_wait3A_77 = arith.constant 0 : i32
      %dma_wait3A_78 = arith.constant 0 : i32
      %dma_wait3A_79 = tpu.memref_slice %arg5[%dma_wait3A_77, %dma_wait3A_78] : memref<100000x128xf32, #tpu.memory_space<hbm>> -> memref<100000x128xf32, #tpu.memory_space<hbm>>
      tpu.wait_indirect_dma semaphore(%arg16 : memref<!tpu.dma_semaphore, #tpu.memory_space<semaphore_mem>>) src(%dma_wait3A_79 : memref<100000x128xf32, #tpu.memory_space<hbm>>) dst(%dma_wait3A_73 : memref<56x128xf32, #tpu.memory_space<vmem>>)
      %dma_wait3A_80 = arith.constant 1 : i32
      %dma_wait3A_81 = arith.constant 56 : i32
      %dma_wait3A_82 = arith.constant 0 : i32
      %dma_wait3A_83 = tpu.memref_slice %arg13[%dma_wait3A_81, %dma_wait3A_82] : memref<112x128xf32, #tpu.memory_space<vmem>> -> memref<56x128xf32, #tpu.memory_space<vmem>>
      %dma_wait3A_84 = arith.constant 0 : i32
      %dma_wait3A_85 = tpu.memref_slice %arg10[%dma_wait3A_80, %dma_wait3A_84] : memref<2x56xi32, #tpu.memory_space<vmem>> -> memref<1x56xi32, #tpu.memory_space<vmem>>
      %dma_wait3A_86 = tpu.memref_squeeze %dma_wait3A_85 : memref<1x56xi32, #tpu.memory_space<vmem>> -> memref<56xi32, #tpu.memory_space<vmem>>
      %dma_wait3A_87 = arith.constant 0 : i32
      %dma_wait3A_88 = arith.constant 0 : i32
      %dma_wait3A_89 = tpu.memref_slice %arg6[%dma_wait3A_87, %dma_wait3A_88] : memref<1000x128xf32, #tpu.memory_space<hbm>> -> memref<1000x128xf32, #tpu.memory_space<hbm>>
      tpu.wait_indirect_dma semaphore(%arg16 : memref<!tpu.dma_semaphore, #tpu.memory_space<semaphore_mem>>) src(%dma_wait3A_89 : memref<1000x128xf32, #tpu.memory_space<hbm>>) dst(%dma_wait3A_83 : memref<56x128xf32, #tpu.memory_space<vmem>>)
      %scan3A_90 = arith.constant 0 : i32
      %scan3A_91 = arith.constant 0 : i32
      %scan3A_92 = arith.constant 50 : i32
      %scan3A_93 = arith.addi %scan3A_91, %scan3A_92 : i32
      %scan3A_94 = arith.constant 1 : i32
      scf.for %scan3A_96 = %scan3A_91 to %scan3A_93 step %scan3A_94  : i32 {
        %get3A = arith.index_cast %scan3A_96 : i32 to index
        %get3A_97 = arith.constant 0 : index
        %get3A_98 = tpu.vector_load %arg15[%get3A, %get3A_97] {strides = array<i32>} : memref<50x64xf32, #tpu.memory_space<vmem>>, vector<16xf32>,
        %get3A_99 = arith.index_cast %scan3A_96 : i32 to index
        %get3A_100 = arith.constant 16 : index
        %get3A_101 = tpu.vector_load %arg15[%get3A_99, %get3A_100] {strides = array<i32>} : memref<50x64xf32, #tpu.memory_space<vmem>>, vector<16xf32>,
        %get3A_102 = arith.index_cast %scan3A_96 : i32 to index
        %get3A_103 = arith.constant 32 : index
        %get3A_104 = tpu.vector_load %arg15[%get3A_102, %get3A_103] {strides = array<i32>} : memref<50x64xf32, #tpu.memory_space<vmem>>, vector<16xf32>,
        %get3A_105 = arith.index_cast %scan3A_96 : i32 to index
        %get3A_106 = arith.constant 48 : index
        %get3A_107 = tpu.vector_load %arg15[%get3A_105, %get3A_106] {strides = array<i32>} : memref<50x64xf32, #tpu.memory_space<vmem>>, vector<16xf32>,
        %add3A_108 = arith.constant 0 : i32
        %add3A_109 = arith.addi %add3A_108, %scan3A_96 : i32
        %broadcast_in_dim3A = arith.constant 0 : i32
        %broadcast_in_dim3A_110 = vector.broadcast %broadcast_in_dim3A : i32 to vector<16xi32>
        %broadcast_in_dim3A_111 = arith.constant 0 : i32
        %broadcast_in_dim3A_112 = vector.broadcast %broadcast_in_dim3A_111 : i32 to vector<16xi32>
        %add3A_113 = vector.broadcast %scan3A_96 : i32 to vector<16xi32>
        %add3A_114 = arith.addi %broadcast_in_dim3A_112, %add3A_113 : vector<16xi32>
        %gather3A = tpu.vector_load_idx %arg11[%broadcast_in_dim3A_110, %add3A_114] : memref<2x112xf32, #tpu.memory_space<vmem>>[vector<16xi32>, vector<16xi32>], vector<16xf32>,
        %add3A_115 = arith.constant 56 : i32
        %add3A_116 = vector.broadcast %add3A_115 : i32 to vector<16xi32>
        %add3A_117 = arith.addi %add3A_114, %add3A_116 : vector<16xi32>
        %gather3A_118 = tpu.vector_load_idx %arg11[%broadcast_in_dim3A_110, %add3A_117] : memref<2x112xf32, #tpu.memory_space<vmem>>[vector<16xi32>, vector<16xi32>], vector<16xf32>,
        %get3A_119 = arith.index_cast %add3A_109 : i32 to index
        %get3A_120 = arith.constant 0 : index
        %get3A_121 = tpu.vector_load %arg12[%get3A_119, %get3A_120] {strides = array<i32>} : memref<112x128xf32, #tpu.memory_space<vmem>>, vector<16xf32>,
        %get3A_122 = arith.index_cast %add3A_109 : i32 to index
        %get3A_123 = arith.constant 0 : index
        %get3A_124 = tpu.vector_load %arg13[%get3A_122, %get3A_123] {strides = array<i32>} : memref<112x128xf32, #tpu.memory_space<vmem>>, vector<16xf32>,
        %add3A_125 = arith.addf %get3A_121, %get3A_98 : vector<16xf32>
        %mul3A_126 = arith.constant 4 : i32
        %mul3A_127 = arith.muli %scan3A_96, %mul3A_126 : i32
        %swap3A = arith.constant 0 : i32
        %swap3A_128 = arith.index_cast %swap3A : i32 to index
        %swap3A_129 = arith.index_cast %mul3A_127 : i32 to index
        %swap3A_130 = arith.constant 0 : index
        %swap3A_131 = tpu.vector_load %arg14[%swap3A_128, %swap3A_129, %swap3A_130] {strides = array<i32>} : memref<2x200x64xf32, #tpu.memory_space<vmem>>, vector<16xf32>,
        tpu.vector_store %arg14[%swap3A_128, %swap3A_129, %swap3A_130], %add3A_125 {strides = array<i32>} : memref<2x200x64xf32, #tpu.memory_space<vmem>>, vector<16xf32>,
        %add3A_132 = arith.addf %get3A_124, %get3A_98 : vector<16xf32>
        %mul3A_133 = arith.constant 4 : i32
        %mul3A_134 = arith.muli %scan3A_96, %mul3A_133 : i32
        %add3A_135 = arith.constant 1 : i32
        %add3A_136 = arith.addi %mul3A_134, %add3A_135 : i32
        %swap3A_137 = arith.constant 0 : i32
        %swap3A_138 = arith.index_cast %swap3A_137 : i32 to index
        %swap3A_139 = arith.index_cast %add3A_136 : i32 to index
        %swap3A_140 = arith.constant 0 : index
        %swap3A_141 = tpu.vector_load %arg14[%swap3A_138, %swap3A_139, %swap3A_140] {strides = array<i32>} : memref<2x200x64xf32, #tpu.memory_space<vmem>>, vector<16xf32>,
        tpu.vector_store %arg14[%swap3A_138, %swap3A_139, %swap3A_140], %add3A_132 {strides = array<i32>} : memref<2x200x64xf32, #tpu.memory_space<vmem>>, vector<16xf32>,
        %add3A_142 = arith.addf %gather3A, %get3A_98 : vector<16xf32>
        %mul3A_143 = arith.constant 4 : i32
        %mul3A_144 = arith.muli %scan3A_96, %mul3A_143 : i32
        %add3A_145 = arith.constant 2 : i32
        %add3A_146 = arith.addi %mul3A_144, %add3A_145 : i32
        %swap3A_147 = arith.constant 0 : i32
        %swap3A_148 = arith.index_cast %swap3A_147 : i32 to index
        %swap3A_149 = arith.index_cast %add3A_146 : i32 to index
        %swap3A_150 = arith.constant 0 : index
        %swap3A_151 = tpu.vector_load %arg14[%swap3A_148, %swap3A_149, %swap3A_150] {strides = array<i32>} : memref<2x200x64xf32, #tpu.memory_space<vmem>>, vector<16xf32>,
        tpu.vector_store %arg14[%swap3A_148, %swap3A_149, %swap3A_150], %add3A_142 {strides = array<i32>} : memref<2x200x64xf32, #tpu.memory_space<vmem>>, vector<16xf32>,
        %add3A_152 = arith.addf %gather3A_118, %get3A_98 : vector<16xf32>
        %mul3A_153 = arith.constant 4 : i32
        %mul3A_154 = arith.muli %scan3A_96, %mul3A_153 : i32
        %add3A_155 = arith.constant 3 : i32
        %add3A_156 = arith.addi %mul3A_154, %add3A_155 : i32
        %swap3A_157 = arith.constant 0 : i32
        %swap3A_158 = arith.index_cast %swap3A_157 : i32 to index
        %swap3A_159 = arith.index_cast %add3A_156 : i32 to index
        %swap3A_160 = arith.constant 0 : index
        %swap3A_161 = tpu.vector_load %arg14[%swap3A_158, %swap3A_159, %swap3A_160] {strides = array<i32>} : memref<2x200x64xf32, #tpu.memory_space<vmem>>, vector<16xf32>,
        tpu.vector_store %arg14[%swap3A_158, %swap3A_159, %swap3A_160], %add3A_152 {strides = array<i32>} : memref<2x200x64xf32, #tpu.memory_space<vmem>>, vector<16xf32>,
        %get3A_162 = arith.index_cast %add3A_109 : i32 to index
        %get3A_163 = arith.constant 16 : index
        %get3A_164 = tpu.vector_load %arg12[%get3A_162, %get3A_163] {strides = array<i32>} : memref<112x128xf32, #tpu.memory_space<vmem>>, vector<16xf32>,
        %get3A_165 = arith.index_cast %add3A_109 : i32 to index
        %get3A_166 = arith.constant 16 : index
        %get3A_167 = tpu.vector_load %arg13[%get3A_165, %get3A_166] {strides = array<i32>} : memref<112x128xf32, #tpu.memory_space<vmem>>, vector<16xf32>,
        %add3A_168 = arith.addf %get3A_164, %get3A_101 : vector<16xf32>
        %mul3A_169 = arith.constant 4 : i32
        %mul3A_170 = arith.muli %scan3A_96, %mul3A_169 : i32
        %swap3A_171 = arith.constant 0 : i32
        %swap3A_172 = arith.index_cast %swap3A_171 : i32 to index
        %swap3A_173 = arith.index_cast %mul3A_170 : i32 to index
        %swap3A_174 = arith.constant 16 : index
        %swap3A_175 = tpu.vector_load %arg14[%swap3A_172, %swap3A_173, %swap3A_174] {strides = array<i32>} : memref<2x200x64xf32, #tpu.memory_space<vmem>>, vector<16xf32>,
        tpu.vector_store %arg14[%swap3A_172, %swap3A_173, %swap3A_174], %add3A_168 {strides = array<i32>} : memref<2x200x64xf32, #tpu.memory_space<vmem>>, vector<16xf32>,
        %add3A_176 = arith.addf %get3A_167, %get3A_101 : vector<16xf32>
        %mul3A_177 = arith.constant 4 : i32
        %mul3A_178 = arith.muli %scan3A_96, %mul3A_177 : i32
        %add3A_179 = arith.constant 1 : i32
        %add3A_180 = arith.addi %mul3A_178, %add3A_179 : i32
        %swap3A_181 = arith.constant 0 : i32
        %swap3A_182 = arith.index_cast %swap3A_181 : i32 to index
        %swap3A_183 = arith.index_cast %add3A_180 : i32 to index
        %swap3A_184 = arith.constant 16 : index
        %swap3A_185 = tpu.vector_load %arg14[%swap3A_182, %swap3A_183, %swap3A_184] {strides = array<i32>} : memref<2x200x64xf32, #tpu.memory_space<vmem>>, vector<16xf32>,
        tpu.vector_store %arg14[%swap3A_182, %swap3A_183, %swap3A_184], %add3A_176 {strides = array<i32>} : memref<2x200x64xf32, #tpu.memory_space<vmem>>, vector<16xf32>,
        %add3A_186 = arith.addf %gather3A, %get3A_101 : vector<16xf32>
        %mul3A_187 = arith.constant 4 : i32
        %mul3A_188 = arith.muli %scan3A_96, %mul3A_187 : i32
        %add3A_189 = arith.constant 2 : i32
        %add3A_190 = arith.addi %mul3A_188, %add3A_189 : i32
        %swap3A_191 = arith.constant 0 : i32
        %swap3A_192 = arith.index_cast %swap3A_191 : i32 to index
        %swap3A_193 = arith.index_cast %add3A_190 : i32 to index
        %swap3A_194 = arith.constant 16 : index
        %swap3A_195 = tpu.vector_load %arg14[%swap3A_192, %swap3A_193, %swap3A_194] {strides = array<i32>} : memref<2x200x64xf32, #tpu.memory_space<vmem>>, vector<16xf32>,
        tpu.vector_store %arg14[%swap3A_192, %swap3A_193, %swap3A_194], %add3A_186 {strides = array<i32>} : memref<2x200x64xf32, #tpu.memory_space<vmem>>, vector<16xf32>,
        %add3A_196 = arith.addf %gather3A_118, %get3A_101 : vector<16xf32>
        %mul3A_197 = arith.constant 4 : i32
        %mul3A_198 = arith.muli %scan3A_96, %mul3A_197 : i32
        %add3A_199 = arith.constant 3 : i32
        %add3A_200 = arith.addi %mul3A_198, %add3A_199 : i32
        %swap3A_201 = arith.constant 0 : i32
        %swap3A_202 = arith.index_cast %swap3A_201 : i32 to index
        %swap3A_203 = arith.index_cast %add3A_200 : i32 to index
        %swap3A_204 = arith.constant 16 : index
        %swap3A_205 = tpu.vector_load %arg14[%swap3A_202, %swap3A_203, %swap3A_204] {strides = array<i32>} : memref<2x200x64xf32, #tpu.memory_space<vmem>>, vector<16xf32>,
        tpu.vector_store %arg14[%swap3A_202, %swap3A_203, %swap3A_204], %add3A_196 {strides = array<i32>} : memref<2x200x64xf32, #tpu.memory_space<vmem>>, vector<16xf32>,
        %get3A_206 = arith.index_cast %add3A_109 : i32 to index
        %get3A_207 = arith.constant 32 : index
        %get3A_208 = tpu.vector_load %arg12[%get3A_206, %get3A_207] {strides = array<i32>} : memref<112x128xf32, #tpu.memory_space<vmem>>, vector<16xf32>,
        %get3A_209 = arith.index_cast %add3A_109 : i32 to index
        %get3A_210 = arith.constant 32 : index
        %get3A_211 = tpu.vector_load %arg13[%get3A_209, %get3A_210] {strides = array<i32>} : memref<112x128xf32, #tpu.memory_space<vmem>>, vector<16xf32>,
        %add3A_212 = arith.addf %get3A_208, %get3A_104 : vector<16xf32>
        %mul3A_213 = arith.constant 4 : i32
        %mul3A_214 = arith.muli %scan3A_96, %mul3A_213 : i32
        %swap3A_215 = arith.constant 0 : i32
        %swap3A_216 = arith.index_cast %swap3A_215 : i32 to index
        %swap3A_217 = arith.index_cast %mul3A_214 : i32 to index
        %swap3A_218 = arith.constant 32 : index
        %swap3A_219 = tpu.vector_load %arg14[%swap3A_216, %swap3A_217, %swap3A_218] {strides = array<i32>} : memref<2x200x64xf32, #tpu.memory_space<vmem>>, vector<16xf32>,
        tpu.vector_store %arg14[%swap3A_216, %swap3A_217, %swap3A_218], %add3A_212 {strides = array<i32>} : memref<2x200x64xf32, #tpu.memory_space<vmem>>, vector<16xf32>,
        %add3A_220 = arith.addf %get3A_211, %get3A_104 : vector<16xf32>
        %mul3A_221 = arith.constant 4 : i32
        %mul3A_222 = arith.muli %scan3A_96, %mul3A_221 : i32
        %add3A_223 = arith.constant 1 : i32
        %add3A_224 = arith.addi %mul3A_222, %add3A_223 : i32
        %swap3A_225 = arith.constant 0 : i32
        %swap3A_226 = arith.index_cast %swap3A_225 : i32 to index
        %swap3A_227 = arith.index_cast %add3A_224 : i32 to index
        %swap3A_228 = arith.constant 32 : index
        %swap3A_229 = tpu.vector_load %arg14[%swap3A_226, %swap3A_227, %swap3A_228] {strides = array<i32>} : memref<2x200x64xf32, #tpu.memory_space<vmem>>, vector<16xf32>,
        tpu.vector_store %arg14[%swap3A_226, %swap3A_227, %swap3A_228], %add3A_220 {strides = array<i32>} : memref<2x200x64xf32, #tpu.memory_space<vmem>>, vector<16xf32>,
        %add3A_230 = arith.addf %gather3A, %get3A_104 : vector<16xf32>
        %mul3A_231 = arith.constant 4 : i32
        %mul3A_232 = arith.muli %scan3A_96, %mul3A_231 : i32
        %add3A_233 = arith.constant 2 : i32
        %add3A_234 = arith.addi %mul3A_232, %add3A_233 : i32
        %swap3A_235 = arith.constant 0 : i32
        %swap3A_236 = arith.index_cast %swap3A_235 : i32 to index
        %swap3A_237 = arith.index_cast %add3A_234 : i32 to index
        %swap3A_238 = arith.constant 32 : index
        %swap3A_239 = tpu.vector_load %arg14[%swap3A_236, %swap3A_237, %swap3A_238] {strides = array<i32>} : memref<2x200x64xf32, #tpu.memory_space<vmem>>, vector<16xf32>,
        tpu.vector_store %arg14[%swap3A_236, %swap3A_237, %swap3A_238], %add3A_230 {strides = array<i32>} : memref<2x200x64xf32, #tpu.memory_space<vmem>>, vector<16xf32>,
        %add3A_240 = arith.addf %gather3A_118, %get3A_104 : vector<16xf32>
        %mul3A_241 = arith.constant 4 : i32
        %mul3A_242 = arith.muli %scan3A_96, %mul3A_241 : i32
        %add3A_243 = arith.constant 3 : i32
        %add3A_244 = arith.addi %mul3A_242, %add3A_243 : i32
        %swap3A_245 = arith.constant 0 : i32
        %swap3A_246 = arith.index_cast %swap3A_245 : i32 to index
        %swap3A_247 = arith.index_cast %add3A_244 : i32 to index
        %swap3A_248 = arith.constant 32 : index
        %swap3A_249 = tpu.vector_load %arg14[%swap3A_246, %swap3A_247, %swap3A_248] {strides = array<i32>} : memref<2x200x64xf32, #tpu.memory_space<vmem>>, vector<16xf32>,
        tpu.vector_store %arg14[%swap3A_246, %swap3A_247, %swap3A_248], %add3A_240 {strides = array<i32>} : memref<2x200x64xf32, #tpu.memory_space<vmem>>, vector<16xf32>,
        %get3A_250 = arith.index_cast %add3A_109 : i32 to index
        %get3A_251 = arith.constant 48 : index
        %get3A_252 = tpu.vector_load %arg12[%get3A_250, %get3A_251] {strides = array<i32>} : memref<112x128xf32, #tpu.memory_space<vmem>>, vector<16xf32>,
        %get3A_253 = arith.index_cast %add3A_109 : i32 to index
        %get3A_254 = arith.constant 48 : index
        %get3A_255 = tpu.vector_load %arg13[%get3A_253, %get3A_254] {strides = array<i32>} : memref<112x128xf32, #tpu.memory_space<vmem>>, vector<16xf32>,
        %add3A_256 = arith.addf %get3A_252, %get3A_107 : vector<16xf32>
        %mul3A_257 = arith.constant 4 : i32
        %mul3A_258 = arith.muli %scan3A_96, %mul3A_257 : i32
        %swap3A_259 = arith.constant 0 : i32
        %swap3A_260 = arith.index_cast %swap3A_259 : i32 to index
        %swap3A_261 = arith.index_cast %mul3A_258 : i32 to index
        %swap3A_262 = arith.constant 48 : index
        %swap3A_263 = tpu.vector_load %arg14[%swap3A_260, %swap3A_261, %swap3A_262] {strides = array<i32>} : memref<2x200x64xf32, #tpu.memory_space<vmem>>, vector<16xf32>,
        tpu.vector_store %arg14[%swap3A_260, %swap3A_261, %swap3A_262], %add3A_256 {strides = array<i32>} : memref<2x200x64xf32, #tpu.memory_space<vmem>>, vector<16xf32>,
        %add3A_264 = arith.addf %get3A_255, %get3A_107 : vector<16xf32>
        %mul3A_265 = arith.constant 4 : i32
        %mul3A_266 = arith.muli %scan3A_96, %mul3A_265 : i32
        %add3A_267 = arith.constant 1 : i32
        %add3A_268 = arith.addi %mul3A_266, %add3A_267 : i32
        %swap3A_269 = arith.constant 0 : i32
        %swap3A_270 = arith.index_cast %swap3A_269 : i32 to index
        %swap3A_271 = arith.index_cast %add3A_268 : i32 to index
        %swap3A_272 = arith.constant 48 : index
        %swap3A_273 = tpu.vector_load %arg14[%swap3A_270, %swap3A_271, %swap3A_272] {strides = array<i32>} : memref<2x200x64xf32, #tpu.memory_space<vmem>>, vector<16xf32>,
        tpu.vector_store %arg14[%swap3A_270, %swap3A_271, %swap3A_272], %add3A_264 {strides = array<i32>} : memref<2x200x64xf32, #tpu.memory_space<vmem>>, vector<16xf32>,
        %add3A_274 = arith.addf %gather3A, %get3A_107 : vector<16xf32>
        %mul3A_275 = arith.constant 4 : i32
        %mul3A_276 = arith.muli %scan3A_96, %mul3A_275 : i32
        %add3A_277 = arith.constant 2 : i32
        %add3A_278 = arith.addi %mul3A_276, %add3A_277 : i32
        %swap3A_279 = arith.constant 0 : i32
        %swap3A_280 = arith.index_cast %swap3A_279 : i32 to index
        %swap3A_281 = arith.index_cast %add3A_278 : i32 to index
        %swap3A_282 = arith.constant 48 : index
        %swap3A_283 = tpu.vector_load %arg14[%swap3A_280, %swap3A_281, %swap3A_282] {strides = array<i32>} : memref<2x200x64xf32, #tpu.memory_space<vmem>>, vector<16xf32>,
        tpu.vector_store %arg14[%swap3A_280, %swap3A_281, %swap3A_282], %add3A_274 {strides = array<i32>} : memref<2x200x64xf32, #tpu.memory_space<vmem>>, vector<16xf32>,
        %add3A_284 = arith.addf %gather3A_118, %get3A_107 : vector<16xf32>
        %mul3A_285 = arith.constant 4 : i32
        %mul3A_286 = arith.muli %scan3A_96, %mul3A_285 : i32
        %add3A_287 = arith.constant 3 : i32
        %add3A_288 = arith.addi %mul3A_286, %add3A_287 : i32
        %swap3A_289 = arith.constant 0 : i32
        %swap3A_290 = arith.index_cast %swap3A_289 : i32 to index
        %swap3A_291 = arith.index_cast %add3A_288 : i32 to index
        %swap3A_292 = arith.constant 48 : index
        %swap3A_293 = tpu.vector_load %arg14[%swap3A_290, %swap3A_291, %swap3A_292] {strides = array<i32>} : memref<2x200x64xf32, #tpu.memory_space<vmem>>, vector<16xf32>,
        tpu.vector_store %arg14[%swap3A_290, %swap3A_291, %swap3A_292], %add3A_284 {strides = array<i32>} : memref<2x200x64xf32, #tpu.memory_space<vmem>>, vector<16xf32>,
        %add3A_294 = arith.constant 56 : i32
        %add3A_295 = arith.addi %add3A_294, %scan3A_96 : i32
        %broadcast_in_dim3A_296 = arith.constant 1 : i32
        %broadcast_in_dim3A_297 = vector.broadcast %broadcast_in_dim3A_296 : i32 to vector<16xi32>
        %broadcast_in_dim3A_298 = arith.constant 0 : i32
        %broadcast_in_dim3A_299 = vector.broadcast %broadcast_in_dim3A_298 : i32 to vector<16xi32>
        %add3A_300 = vector.broadcast %scan3A_96 : i32 to vector<16xi32>
        %add3A_301 = arith.addi %broadcast_in_dim3A_299, %add3A_300 : vector<16xi32>
        %gather3A_302 = tpu.vector_load_idx %arg11[%broadcast_in_dim3A_297, %add3A_301] : memref<2x112xf32, #tpu.memory_space<vmem>>[vector<16xi32>, vector<16xi32>], vector<16xf32>,
        %add3A_303 = arith.constant 56 : i32
        %add3A_304 = vector.broadcast %add3A_303 : i32 to vector<16xi32>
        %add3A_305 = arith.addi %add3A_301, %add3A_304 : vector<16xi32>
        %gather3A_306 = tpu.vector_load_idx %arg11[%broadcast_in_dim3A_297, %add3A_305] : memref<2x112xf32, #tpu.memory_space<vmem>>[vector<16xi32>, vector<16xi32>], vector<16xf32>,
        %get3A_307 = arith.index_cast %add3A_295 : i32 to index
        %get3A_308 = arith.constant 0 : index
        %get3A_309 = tpu.vector_load %arg12[%get3A_307, %get3A_308] {strides = array<i32>} : memref<112x128xf32, #tpu.memory_space<vmem>>, vector<16xf32>,
        %get3A_310 = arith.index_cast %add3A_295 : i32 to index
        %get3A_311 = arith.constant 0 : index
        %get3A_312 = tpu.vector_load %arg13[%get3A_310, %get3A_311] {strides = array<i32>} : memref<112x128xf32, #tpu.memory_space<vmem>>, vector<16xf32>,
        %add3A_313 = arith.addf %get3A_309, %get3A_98 : vector<16xf32>
        %mul3A_314 = arith.constant 4 : i32
        %mul3A_315 = arith.muli %scan3A_96, %mul3A_314 : i32
        %swap3A_316 = arith.constant 1 : i32
        %swap3A_317 = arith.index_cast %swap3A_316 : i32 to index
        %swap3A_318 = arith.index_cast %mul3A_315 : i32 to index
        %swap3A_319 = arith.constant 0 : index
        %swap3A_320 = tpu.vector_load %arg14[%swap3A_317, %swap3A_318, %swap3A_319] {strides = array<i32>} : memref<2x200x64xf32, #tpu.memory_space<vmem>>, vector<16xf32>,
        tpu.vector_store %arg14[%swap3A_317, %swap3A_318, %swap3A_319], %add3A_313 {strides = array<i32>} : memref<2x200x64xf32, #tpu.memory_space<vmem>>, vector<16xf32>,
        %add3A_321 = arith.addf %get3A_312, %get3A_98 : vector<16xf32>
        %mul3A_322 = arith.constant 4 : i32
        %mul3A_323 = arith.muli %scan3A_96, %mul3A_322 : i32
        %add3A_324 = arith.constant 1 : i32
        %add3A_325 = arith.addi %mul3A_323, %add3A_324 : i32
        %swap3A_326 = arith.constant 1 : i32
        %swap3A_327 = arith.index_cast %swap3A_326 : i32 to index
        %swap3A_328 = arith.index_cast %add3A_325 : i32 to index
        %swap3A_329 = arith.constant 0 : index
        %swap3A_330 = tpu.vector_load %arg14[%swap3A_327, %swap3A_328, %swap3A_329] {strides = array<i32>} : memref<2x200x64xf32, #tpu.memory_space<vmem>>, vector<16xf32>,
        tpu.vector_store %arg14[%swap3A_327, %swap3A_328, %swap3A_329], %add3A_321 {strides = array<i32>} : memref<2x200x64xf32, #tpu.memory_space<vmem>>, vector<16xf32>,
        %add3A_331 = arith.addf %gather3A_302, %get3A_98 : vector<16xf32>
        %mul3A_332 = arith.constant 4 : i32
        %mul3A_333 = arith.muli %scan3A_96, %mul3A_332 : i32
        %add3A_334 = arith.constant 2 : i32
        %add3A_335 = arith.addi %mul3A_333, %add3A_334 : i32
        %swap3A_336 = arith.constant 1 : i32
        %swap3A_337 = arith.index_cast %swap3A_336 : i32 to index
        %swap3A_338 = arith.index_cast %add3A_335 : i32 to index
        %swap3A_339 = arith.constant 0 : index
        %swap3A_340 = tpu.vector_load %arg14[%swap3A_337, %swap3A_338, %swap3A_339] {strides = array<i32>} : memref<2x200x64xf32, #tpu.memory_space<vmem>>, vector<16xf32>,
        tpu.vector_store %arg14[%swap3A_337, %swap3A_338, %swap3A_339], %add3A_331 {strides = array<i32>} : memref<2x200x64xf32, #tpu.memory_space<vmem>>, vector<16xf32>,
        %add3A_341 = arith.addf %gather3A_306, %get3A_98 : vector<16xf32>
        %mul3A_342 = arith.constant 4 : i32
        %mul3A_343 = arith.muli %scan3A_96, %mul3A_342 : i32
        %add3A_344 = arith.constant 3 : i32
        %add3A_345 = arith.addi %mul3A_343, %add3A_344 : i32
        %swap3A_346 = arith.constant 1 : i32
        %swap3A_347 = arith.index_cast %swap3A_346 : i32 to index
        %swap3A_348 = arith.index_cast %add3A_345 : i32 to index
        %swap3A_349 = arith.constant 0 : index
        %swap3A_350 = tpu.vector_load %arg14[%swap3A_347, %swap3A_348, %swap3A_349] {strides = array<i32>} : memref<2x200x64xf32, #tpu.memory_space<vmem>>, vector<16xf32>,
        tpu.vector_store %arg14[%swap3A_347, %swap3A_348, %swap3A_349], %add3A_341 {strides = array<i32>} : memref<2x200x64xf32, #tpu.memory_space<vmem>>, vector<16xf32>,
        %get3A_351 = arith.index_cast %add3A_295 : i32 to index
        %get3A_352 = arith.constant 16 : index
        %get3A_353 = tpu.vector_load %arg12[%get3A_351, %get3A_352] {strides = array<i32>} : memref<112x128xf32, #tpu.memory_space<vmem>>, vector<16xf32>,
        %get3A_354 = arith.index_cast %add3A_295 : i32 to index
        %get3A_355 = arith.constant 16 : index
        %get3A_356 = tpu.vector_load %arg13[%get3A_354, %get3A_355] {strides = array<i32>} : memref<112x128xf32, #tpu.memory_space<vmem>>, vector<16xf32>,
        %add3A_357 = arith.addf %get3A_353, %get3A_101 : vector<16xf32>
        %mul3A_358 = arith.constant 4 : i32
        %mul3A_359 = arith.muli %scan3A_96, %mul3A_358 : i32
        %swap3A_360 = arith.constant 1 : i32
        %swap3A_361 = arith.index_cast %swap3A_360 : i32 to index
        %swap3A_362 = arith.index_cast %mul3A_359 : i32 to index
        %swap3A_363 = arith.constant 16 : index
        %swap3A_364 = tpu.vector_load %arg14[%swap3A_361, %swap3A_362, %swap3A_363] {strides = array<i32>} : memref<2x200x64xf32, #tpu.memory_space<vmem>>, vector<16xf32>,
        tpu.vector_store %arg14[%swap3A_361, %swap3A_362, %swap3A_363], %add3A_357 {strides = array<i32>} : memref<2x200x64xf32, #tpu.memory_space<vmem>>, vector<16xf32>,
        %add3A_365 = arith.addf %get3A_356, %get3A_101 : vector<16xf32>
        %mul3A_366 = arith.constant 4 : i32
        %mul3A_367 = arith.muli %scan3A_96, %mul3A_366 : i32
        %add3A_368 = arith.constant 1 : i32
        %add3A_369 = arith.addi %mul3A_367, %add3A_368 : i32
        %swap3A_370 = arith.constant 1 : i32
        %swap3A_371 = arith.index_cast %swap3A_370 : i32 to index
        %swap3A_372 = arith.index_cast %add3A_369 : i32 to index
        %swap3A_373 = arith.constant 16 : index
        %swap3A_374 = tpu.vector_load %arg14[%swap3A_371, %swap3A_372, %swap3A_373] {strides = array<i32>} : memref<2x200x64xf32, #tpu.memory_space<vmem>>, vector<16xf32>,
        tpu.vector_store %arg14[%swap3A_371, %swap3A_372, %swap3A_373], %add3A_365 {strides = array<i32>} : memref<2x200x64xf32, #tpu.memory_space<vmem>>, vector<16xf32>,
        %add3A_375 = arith.addf %gather3A_302, %get3A_101 : vector<16xf32>
        %mul3A_376 = arith.constant 4 : i32
        %mul3A_377 = arith.muli %scan3A_96, %mul3A_376 : i32
        %add3A_378 = arith.constant 2 : i32
        %add3A_379 = arith.addi %mul3A_377, %add3A_378 : i32
        %swap3A_380 = arith.constant 1 : i32
        %swap3A_381 = arith.index_cast %swap3A_380 : i32 to index
        %swap3A_382 = arith.index_cast %add3A_379 : i32 to index
        %swap3A_383 = arith.constant 16 : index
        %swap3A_384 = tpu.vector_load %arg14[%swap3A_381, %swap3A_382, %swap3A_383] {strides = array<i32>} : memref<2x200x64xf32, #tpu.memory_space<vmem>>, vector<16xf32>,
        tpu.vector_store %arg14[%swap3A_381, %swap3A_382, %swap3A_383], %add3A_375 {strides = array<i32>} : memref<2x200x64xf32, #tpu.memory_space<vmem>>, vector<16xf32>,
        %add3A_385 = arith.addf %gather3A_306, %get3A_101 : vector<16xf32>
        %mul3A_386 = arith.constant 4 : i32
        %mul3A_387 = arith.muli %scan3A_96, %mul3A_386 : i32
        %add3A_388 = arith.constant 3 : i32
        %add3A_389 = arith.addi %mul3A_387, %add3A_388 : i32
        %swap3A_390 = arith.constant 1 : i32
        %swap3A_391 = arith.index_cast %swap3A_390 : i32 to index
        %swap3A_392 = arith.index_cast %add3A_389 : i32 to index
        %swap3A_393 = arith.constant 16 : index
        %swap3A_394 = tpu.vector_load %arg14[%swap3A_391, %swap3A_392, %swap3A_393] {strides = array<i32>} : memref<2x200x64xf32, #tpu.memory_space<vmem>>, vector<16xf32>,
        tpu.vector_store %arg14[%swap3A_391, %swap3A_392, %swap3A_393], %add3A_385 {strides = array<i32>} : memref<2x200x64xf32, #tpu.memory_space<vmem>>, vector<16xf32>,
        %get3A_395 = arith.index_cast %add3A_295 : i32 to index
        %get3A_396 = arith.constant 32 : index
        %get3A_397 = tpu.vector_load %arg12[%get3A_395, %get3A_396] {strides = array<i32>} : memref<112x128xf32, #tpu.memory_space<vmem>>, vector<16xf32>,
        %get3A_398 = arith.index_cast %add3A_295 : i32 to index
        %get3A_399 = arith.constant 32 : index
        %get3A_400 = tpu.vector_load %arg13[%get3A_398, %get3A_399] {strides = array<i32>} : memref<112x128xf32, #tpu.memory_space<vmem>>, vector<16xf32>,
        %add3A_401 = arith.addf %get3A_397, %get3A_104 : vector<16xf32>
        %mul3A_402 = arith.constant 4 : i32
        %mul3A_403 = arith.muli %scan3A_96, %mul3A_402 : i32
        %swap3A_404 = arith.constant 1 : i32
        %swap3A_405 = arith.index_cast %swap3A_404 : i32 to index
        %swap3A_406 = arith.index_cast %mul3A_403 : i32 to index
        %swap3A_407 = arith.constant 32 : index
        %swap3A_408 = tpu.vector_load %arg14[%swap3A_405, %swap3A_406, %swap3A_407] {strides = array<i32>} : memref<2x200x64xf32, #tpu.memory_space<vmem>>, vector<16xf32>,
        tpu.vector_store %arg14[%swap3A_405, %swap3A_406, %swap3A_407], %add3A_401 {strides = array<i32>} : memref<2x200x64xf32, #tpu.memory_space<vmem>>, vector<16xf32>,
        %add3A_409 = arith.addf %get3A_400, %get3A_104 : vector<16xf32>
        %mul3A_410 = arith.constant 4 : i32
        %mul3A_411 = arith.muli %scan3A_96, %mul3A_410 : i32
        %add3A_412 = arith.constant 1 : i32
        %add3A_413 = arith.addi %mul3A_411, %add3A_412 : i32
        %swap3A_414 = arith.constant 1 : i32
        %swap3A_415 = arith.index_cast %swap3A_414 : i32 to index
        %swap3A_416 = arith.index_cast %add3A_413 : i32 to index
        %swap3A_417 = arith.constant 32 : index
        %swap3A_418 = tpu.vector_load %arg14[%swap3A_415, %swap3A_416, %swap3A_417] {strides = array<i32>} : memref<2x200x64xf32, #tpu.memory_space<vmem>>, vector<16xf32>,
        tpu.vector_store %arg14[%swap3A_415, %swap3A_416, %swap3A_417], %add3A_409 {strides = array<i32>} : memref<2x200x64xf32, #tpu.memory_space<vmem>>, vector<16xf32>,
        %add3A_419 = arith.addf %gather3A_302, %get3A_104 : vector<16xf32>
        %mul3A_420 = arith.constant 4 : i32
        %mul3A_421 = arith.muli %scan3A_96, %mul3A_420 : i32
        %add3A_422 = arith.constant 2 : i32
        %add3A_423 = arith.addi %mul3A_421, %add3A_422 : i32
        %swap3A_424 = arith.constant 1 : i32
        %swap3A_425 = arith.index_cast %swap3A_424 : i32 to index
        %swap3A_426 = arith.index_cast %add3A_423 : i32 to index
        %swap3A_427 = arith.constant 32 : index
        %swap3A_428 = tpu.vector_load %arg14[%swap3A_425, %swap3A_426, %swap3A_427] {strides = array<i32>} : memref<2x200x64xf32, #tpu.memory_space<vmem>>, vector<16xf32>,
        tpu.vector_store %arg14[%swap3A_425, %swap3A_426, %swap3A_427], %add3A_419 {strides = array<i32>} : memref<2x200x64xf32, #tpu.memory_space<vmem>>, vector<16xf32>,
        %add3A_429 = arith.addf %gather3A_306, %get3A_104 : vector<16xf32>
        %mul3A_430 = arith.constant 4 : i32
        %mul3A_431 = arith.muli %scan3A_96, %mul3A_430 : i32
        %add3A_432 = arith.constant 3 : i32
        %add3A_433 = arith.addi %mul3A_431, %add3A_432 : i32
        %swap3A_434 = arith.constant 1 : i32
        %swap3A_435 = arith.index_cast %swap3A_434 : i32 to index
        %swap3A_436 = arith.index_cast %add3A_433 : i32 to index
        %swap3A_437 = arith.constant 32 : index
        %swap3A_438 = tpu.vector_load %arg14[%swap3A_435, %swap3A_436, %swap3A_437] {strides = array<i32>} : memref<2x200x64xf32, #tpu.memory_space<vmem>>, vector<16xf32>,
        tpu.vector_store %arg14[%swap3A_435, %swap3A_436, %swap3A_437], %add3A_429 {strides = array<i32>} : memref<2x200x64xf32, #tpu.memory_space<vmem>>, vector<16xf32>,
        %get3A_439 = arith.index_cast %add3A_295 : i32 to index
        %get3A_440 = arith.constant 48 : index
        %get3A_441 = tpu.vector_load %arg12[%get3A_439, %get3A_440] {strides = array<i32>} : memref<112x128xf32, #tpu.memory_space<vmem>>, vector<16xf32>,
        %get3A_442 = arith.index_cast %add3A_295 : i32 to index
        %get3A_443 = arith.constant 48 : index
        %get3A_444 = tpu.vector_load %arg13[%get3A_442, %get3A_443] {strides = array<i32>} : memref<112x128xf32, #tpu.memory_space<vmem>>, vector<16xf32>,
        %add3A_445 = arith.addf %get3A_441, %get3A_107 : vector<16xf32>
        %mul3A_446 = arith.constant 4 : i32
        %mul3A_447 = arith.muli %scan3A_96, %mul3A_446 : i32
        %swap3A_448 = arith.constant 1 : i32
        %swap3A_449 = arith.index_cast %swap3A_448 : i32 to index
        %swap3A_450 = arith.index_cast %mul3A_447 : i32 to index
        %swap3A_451 = arith.constant 48 : index
        %swap3A_452 = tpu.vector_load %arg14[%swap3A_449, %swap3A_450, %swap3A_451] {strides = array<i32>} : memref<2x200x64xf32, #tpu.memory_space<vmem>>, vector<16xf32>,
        tpu.vector_store %arg14[%swap3A_449, %swap3A_450, %swap3A_451], %add3A_445 {strides = array<i32>} : memref<2x200x64xf32, #tpu.memory_space<vmem>>, vector<16xf32>,
        %add3A_453 = arith.addf %get3A_444, %get3A_107 : vector<16xf32>
        %mul3A_454 = arith.constant 4 : i32
        %mul3A_455 = arith.muli %scan3A_96, %mul3A_454 : i32
        %add3A_456 = arith.constant 1 : i32
        %add3A_457 = arith.addi %mul3A_455, %add3A_456 : i32
        %swap3A_458 = arith.constant 1 : i32
        %swap3A_459 = arith.index_cast %swap3A_458 : i32 to index
        %swap3A_460 = arith.index_cast %add3A_457 : i32 to index
        %swap3A_461 = arith.constant 48 : index
        %swap3A_462 = tpu.vector_load %arg14[%swap3A_459, %swap3A_460, %swap3A_461] {strides = array<i32>} : memref<2x200x64xf32, #tpu.memory_space<vmem>>, vector<16xf32>,
        tpu.vector_store %arg14[%swap3A_459, %swap3A_460, %swap3A_461], %add3A_453 {strides = array<i32>} : memref<2x200x64xf32, #tpu.memory_space<vmem>>, vector<16xf32>,
        %add3A_463 = arith.addf %gather3A_302, %get3A_107 : vector<16xf32>
        %mul3A_464 = arith.constant 4 : i32
        %mul3A_465 = arith.muli %scan3A_96, %mul3A_464 : i32
        %add3A_466 = arith.constant 2 : i32
        %add3A_467 = arith.addi %mul3A_465, %add3A_466 : i32
        %swap3A_468 = arith.constant 1 : i32
        %swap3A_469 = arith.index_cast %swap3A_468 : i32 to index
        %swap3A_470 = arith.index_cast %add3A_467 : i32 to index
        %swap3A_471 = arith.constant 48 : index
        %swap3A_472 = tpu.vector_load %arg14[%swap3A_469, %swap3A_470, %swap3A_471] {strides = array<i32>} : memref<2x200x64xf32, #tpu.memory_space<vmem>>, vector<16xf32>,
        tpu.vector_store %arg14[%swap3A_469, %swap3A_470, %swap3A_471], %add3A_463 {strides = array<i32>} : memref<2x200x64xf32, #tpu.memory_space<vmem>>, vector<16xf32>,
        %add3A_473 = arith.addf %gather3A_306, %get3A_107 : vector<16xf32>
        %mul3A_474 = arith.constant 4 : i32
        %mul3A_475 = arith.muli %scan3A_96, %mul3A_474 : i32
        %add3A_476 = arith.constant 3 : i32
        %add3A_477 = arith.addi %mul3A_475, %add3A_476 : i32
        %swap3A_478 = arith.constant 1 : i32
        %swap3A_479 = arith.index_cast %swap3A_478 : i32 to index
        %swap3A_480 = arith.index_cast %add3A_477 : i32 to index
        %swap3A_481 = arith.constant 48 : index
        %swap3A_482 = tpu.vector_load %arg14[%swap3A_479, %swap3A_480, %swap3A_481] {strides = array<i32>} : memref<2x200x64xf32, #tpu.memory_space<vmem>>, vector<16xf32>,
        tpu.vector_store %arg14[%swap3A_479, %swap3A_480, %swap3A_481], %add3A_473 {strides = array<i32>} : memref<2x200x64xf32, #tpu.memory_space<vmem>>, vector<16xf32>,
      }
      %scan3A_95 = arith.constant 50 : i32
      "tpu.region"() ({
        %run_scoped3A = tpu.sem_alloc : memref<!tpu.dma_semaphore, #tpu.memory_space<semaphore_mem>>
        %dma_start3A_96 = arith.constant 0 : i32
        %dma_start3A_97 = arith.constant 0 : i32
        %dma_start3A_98 = tpu.memref_slice %arg8[%add3A_11, %dma_start3A_96, %dma_start3A_97] : memref<1024x200x64xf32, #tpu.memory_space<hbm>> -> memref<2x200x64xf32, #tpu.memory_space<hbm>>
        %dma_start3A_99 = arith.constant 0 : i32
        %dma_start3A_100 = arith.constant 0 : i32
        %dma_start3A_101 = tpu.memref_slice %arg8[%add3A_11, %dma_start3A_99, %dma_start3A_100] : memref<1024x200x64xf32, #tpu.memory_space<hbm>> -> memref<2x200x64xf32, #tpu.memory_space<hbm>>
        tpu.enqueue_dma source(%arg14 : memref<2x200x64xf32, #tpu.memory_space<vmem>>) target(%dma_start3A_101 : memref<2x200x64xf32, #tpu.memory_space<hbm>>) target_semaphore(%run_scoped3A : memref<!tpu.dma_semaphore, #tpu.memory_space<semaphore_mem>>)
        %dma_wait3A_102 = arith.constant 0 : i32
        %dma_wait3A_103 = arith.constant 0 : i32
        %dma_wait3A_104 = tpu.memref_slice %arg8[%add3A_11, %dma_wait3A_102, %dma_wait3A_103] : memref<1024x200x64xf32, #tpu.memory_space<hbm>> -> memref<2x200x64xf32, #tpu.memory_space<hbm>>
        %dma_wait3A_105 = arith.constant 0 : i32
        %dma_wait3A_106 = arith.constant 0 : i32
        %dma_wait3A_107 = tpu.memref_slice %arg8[%add3A_11, %dma_wait3A_105, %dma_wait3A_106] : memref<1024x200x64xf32, #tpu.memory_space<hbm>> -> memref<2x200x64xf32, #tpu.memory_space<hbm>>
        tpu.wait_dma2 semaphore(%run_scoped3A : memref<!tpu.dma_semaphore, #tpu.memory_space<semaphore_mem>>) src(%arg14 : memref<2x200x64xf32, #tpu.memory_space<vmem>>) dst(%dma_wait3A_107 : memref<2x200x64xf32, #tpu.memory_space<hbm>>)
        tpu.yield
      }) : () -> ()
    }
    %scan3A_5 = arith.constant 16 : i32
    return
  }
}

</mosaic_0001>

<sc_bundles>
// kernel: kernel.3.cloned.1.call-start
scs
__scs_entry_jumppad:
0x0: {  	(pc) =	sbr.rel $0x88, $3  }
0x1: {  	(tag) =	ssettag $0x0;
	lr =	simm.s32 $0x1  }
0x2: {  	[smem:$0x3F9E] =	sst lr;
	_ =	strace $0xD0000000  }
0x3: {  	_ = 	snop  }
0x4: {  	_ = 	snop  }
0x5: {  	_ = 	snop  }
0x6: {  	_ = 	snop  }
0x7: {  	_ = 	snop  }
__scs_overlays_trampoline_lowered:
0x8: {  	[smem:$0x3FAD] =	sst s0  }
0x9: {  	[smem:$0x3FAE] =	sst s1  }
0xa: {  	[smem:$0x3FAF] =	sst s2  }
0xb: {  	[smem:$0x3FB0] =	sst s3  }
0xc: {  	[smem:$0x3FB1] =	sst s4  }
0xd: {  	[smem:$0x3FB2] =	sst s5  }
0xe: {  	[smem:$0x3FB3] =	sst s6  }
0xf: {  	[smem:$0x3FB4] =	sst s7  }
0x10: {  	[smem:$0x3FB5] =	sst s8  }
0x11: {  	[smem:$0x3FB6] =	sst s9;
	s0 =	simm.s32 @!p0 $0x0  }
0x12: {  	s1 =	sld [smem:$0x3F9C];
	s0 =	simm.s32 @p0 $0x1  }
0x13: {  	[smem:$0x3FB7] =	sst s0;
	s0 =	simm.s32 @!p1 $0x0  }
0x14: {  	s2 =	sld [smem:$0x3F9B];
	s0 =	simm.s32 @p1 $0x1  }
0x15: {  	[smem:$0x3FB8] =	sst s0;
	s0 =	simm.s32 @!p2 $0x0  }
0x16: {  	s3 =	sld [smem:$0x3FDB];
	s0 =	simm.s32 @p2 $0x1  }
0x17: {  	s4 =	simm.s32 $0x1BF5;
	[smem:$0x3FBA] =	sst s0  }
0x18: {  	s0 =	sld [smem:$0x3F9D];
	_ =	swait.ge [sflag:s4], $0x0  }
0x19: {  	s7 =	sld [smem:$0x3F9E]  }
0x1a: {  	s8 =	sadd.s32 $0xFFFFE003, lr  }
0x1b: {  	s9 =	sadd.s32 $0xFFFFFEF7, lr;
	s5 =	simm.s32 $0xFFFFFFFF;
	p2 =	slt.u32 s8, $0xFFFFF086  }
0x1c: {  	p1 =	slt.u32 s9, $0xF7A;
	s5 =	simm.s32 @!p2 $0x0  }
0x1d: {  	s5 =	simm.s32 @p1 $0x1;
	p0 =	seq.s32 s7, s2  }
0x1e: {  	s7 =	smul.u32 @!p0 $0xF7A, s2;
	p2 =	seq.s32 @!p0 s5, $0x0  }
0x1f: {  	s9 =	smul.u32 $0xF7A, s1;
	s8 =	simm.s32 @!p0 $0x1BF5;
	p2 =	por !p2, p0  }
0x20: {  	[sflag:s8] =	ssyncset.s32 @!p0 $0xFFFFF086;
	s6 =	sadd.s32 @!p0 s3, s7;
	s7 =	simm.s32 @!p0 $0x108  }
0x21: {  	s3 =	sadd.s32 s3, s9;
	s6 =	sadd.s32 @!p0 $0x88, s6;
	s7 =	simm.s32 @p2 $0x1082  }
0x22: {  	[simem:s7], [sflag:s8] =	dma.local @!p0 [hbm:s6], $0xF7A  }
0x23: {  	s9 =	sor.u32 $0xD0000000, s2;
	s6 =	simm.s32 $0x108;
	_ =	swait.ge @!p0 [sflag:s8], $0x0  }
0x24: {  	s3 =	sadd.s32 $0x88, s3;
	s6 =	simm.s32 @!p1 $0x1082;
	[sflag:s4] =	ssyncset.s32 $0xFFFFF086  }
0x25: {  	[simem:s6], [sflag:s4] =	dma.local [hbm:s3], $0xF7A  }
0x26: {  	[smem:$0x3F9E] =	sst s1;
	(tag) =	ssettag s2;
	_ =	strace s9  }
0x27: {  	s1 =	sld [smem:$0x3FAE]  }
0x28: {  	s2 =	sld [smem:$0x3FAF]  }
0x29: {  	s4 =	sld [smem:$0x3FB1]  }
0x2a: {  	p0 =	seq.s32 s5, $0x0;
	s5 =	sld [smem:$0x3FB2]  }
0x2b: {  	s6 =	sld [smem:$0x3FB3]  }
0x2c: {  	s7 =	sld [smem:$0x3FB4]  }
0x2d: {  	s3 =	simm.s32 $0x108;
	s8 =	sld [smem:$0x3FB5]  }
0x2e: {  	s3 =	simm.s32 @!p0 $0x1082;
	s9 =	sld [smem:$0x3FB6]  }
0x2f: {  	lr =	sadd.s32 s0, s3;
	s0 =	sld [smem:$0x3FAD]  }
0x30: {  	s3 =	sld [smem:$0x3FB0]  }
0x31: {  	[smem:$0x3FB9] =	sst s10  }
0x32: {  	s10 =	sld [smem:$0x3FB7];
	_ =	sdelay $0x3  }
0x33: {  	p0 =	seq.s32 s10, $0x1;
	s10 =	sld [smem:$0x3FB9];
	_ =	sdelay $0x3  }
0x34: {  	[smem:$0x3FB9] =	sst s10  }
0x35: {  	s10 =	sld [smem:$0x3FB8];
	_ =	sdelay $0x3  }
0x36: {  	p1 =	seq.s32 s10, $0x1;
	s10 =	sld [smem:$0x3FB9];
	_ =	sdelay $0x3  }
0x37: {  	[smem:$0x3FB9] =	sst s10  }
0x38: {  	s10 =	sld [smem:$0x3FBA]  }
0x39: {  	_ = 	snop;
	(pc) =	sbr.ind lr, $3  }
0x3a: {  	_ = 	snop  }
0x3b: {  	_ = 	snop  }
0x3c: {  	p2 =	seq.s32 s10, $0x1;
	s10 =	sld [smem:$0x3FB9]  }
0x3d: {  	_ =	shalt  }
0x3e: {  	_ =	shalt  }
0x3f: {  	_ =	shalt  }
0x40: {  	_ =	shalt  }
0x41: {  	_ =	shalt  }
0x42: {  	_ =	shalt  }
0x43: {  	_ =	shalt  }
0x44: {  	_ =	shalt  }
0x45: {  	_ =	shalt  }
0x46: {  	_ =	shalt  }
0x47: {  	_ =	shalt  }
0x48: {  	_ =	shalt  }
0x49: {  	_ =	shalt  }
0x4a: {  	_ =	shalt  }
0x4b: {  	_ =	shalt  }
0x4c: {  	_ =	shalt  }
0x4d: {  	_ =	shalt  }
0x4e: {  	_ =	shalt  }
0x4f: {  	_ =	shalt  }
0x50: {  	_ =	shalt  }
0x51: {  	_ =	shalt  }
0x52: {  	_ =	shalt  }
0x53: {  	_ =	shalt  }
0x54: {  	_ =	shalt  }
0x55: {  	_ =	shalt  }
0x56: {  	_ =	shalt  }
0x57: {  	_ =	shalt  }
0x58: {  	_ =	shalt  }
0x59: {  	_ =	shalt  }
0x5a: {  	_ =	shalt  }
0x5b: {  	_ =	shalt  }
0x5c: {  	_ =	shalt  }
0x5d: {  	_ =	shalt  }
0x5e: {  	_ =	shalt  }
0x5f: {  	_ =	shalt  }
0x60: {  	_ =	shalt  }
0x61: {  	_ =	shalt  }
0x62: {  	_ =	shalt  }
0x63: {  	_ =	shalt  }
0x64: {  	_ =	shalt  }
0x65: {  	_ =	shalt  }
0x66: {  	_ =	shalt  }
0x67: {  	_ =	shalt  }
0x68: {  	_ =	shalt  }
0x69: {  	_ =	shalt  }
0x6a: {  	_ =	shalt  }
0x6b: {  	_ =	shalt  }
0x6c: {  	_ =	shalt  }
0x6d: {  	_ =	shalt  }
0x6e: {  	_ =	shalt  }
0x6f: {  	_ =	shalt  }
0x70: {  	_ =	shalt  }
0x71: {  	_ =	shalt  }
0x72: {  	_ =	shalt  }
0x73: {  	_ =	shalt  }
0x74: {  	_ =	shalt  }
0x75: {  	_ =	shalt  }
0x76: {  	_ =	shalt  }
0x77: {  	_ =	shalt  }
0x78: {  	_ =	shalt  }
0x79: {  	_ =	shalt  }
0x7a: {  	_ =	shalt  }
0x7b: {  	_ =	shalt  }
0x7c: {  	_ =	shalt  }
0x7d: {  	_ =	shalt  }
0x7e: {  	_ =	shalt  }
0x7f: {  	_ =	shalt  }
0x80: {  	_ =	shalt  }
0x81: {  	_ =	shalt  }
0x82: {  	_ =	shalt  }
0x83: {  	_ =	shalt  }
0x84: {  	_ =	shalt  }
0x85: {  	_ =	shalt  }
0x86: {  	_ =	shalt  }
0x87: {  	_ =	shalt  }
.Lfunc_end0:
.L_simem_size_0:
called_computation_lowered:
.L_overlay_start_0:
0x88: {  	s2 =	sld [smem:$0x3FD9]  }
0x89: {  	s3 =	sld [smem:$0x3FFE];
	_ =	sdelay $0x1  }
0x8a: {  	s1 =	srdreg.scid  }
0x8b: {  	s0 =	sand.u32 $0x1, s1  }
0x8c: {  	s17 =	sshll.u32 s0, $0xA;
	s2 =	sadd.s32 s3, s2  }
0x8d: {  	s2 =	sadd.s32 s2, s17  }
0x8e: {  	[smem:$0x3FC5] =	sst s2  }
0x8f: {  	_ = 	snop  }
0x90: {  	s2 =	sld [smem:$0x3FD0];
	(tm) =	ssettm $0x1  }
0x91: {  	s18 =	sld [smem:$0x3FFB];
	_ =	sdelay $0x3  }
0x92: {  	_ =	strace s18  }
0x93: {  	s3 =	sld [smem:$0x3FFC];
	_ =	sdelay $0x3  }
0x94: {  	_ =	strace s3  }
0x95: {  	s3 =	sld [smem:$0x3FFD];
	_ =	sdelay $0x3  }
0x96: {  	_ =	strace s3  }
0x97: {  	_ =	strace $0x8FFFFFFF  }
0x98: {  	s19 =	sld [smem:$0x3FDB];
	_ =	sdelay $0x1  }
0x99: {  	s4 =	simm.s32 $_scs_section_size  }
0x9a: {  	s5 =	simm.s32 $_size__tile_overlayer_lowered;
	s6 =	simm.s32 $_tile_overlayer_lowered  }
0x9b: {  	s22 =	simm.s32 $0x1BFF;
	s21 =	sshll.u32 s6, $0x1;
	s3 =	sadd.s32 s4, s19  }
0x9c: {  	s7 =	simm.s32 $0x0;
	s20 =	sshll.u32 s5, $0x1;
	s5 =	sadd.s32 s21, s3  }
0x9d: {  	[timem:s7], [sflag:s22] =	dma.local [hbm:s5], s20  }
0x9e: {  	_ =	swait.ge [sflag:s22], s20  }
0x9f: {  	s4 =	ssub.s32 $0x0, s20;
	[sflag:s22] =	ssyncset.done $0x0  }
0xa0: {  	[sflag:s22] =	ssyncadd.s32 s4;
	_ =	sdelay $0x1  }
0xa1: {  	s23 =	simm.s32 $0x1B8B  }
0xa2: {  	_ =	swait.ge [sflag:s23], $0x1  }
0xa3: {  	[sflag:s23] =	ssyncset.done $0x0  }
0xa4: {  	s25 =	simm.s32 $0x1B8E;
	s24 =	sld [smem:$0x3FFE];
	[sflag:s23] =	ssyncadd.s32 $0xFFFFFFFF  }
0xa5: {  	s26 =	simm.s32 $execute0_lowered;
	[smem:$0x3FD2] =	sst s25  }
0xa6: {  	s5 =	sshll.u32 s26, $0x1;
	_ =	strace $0x80000046;
	[dreg:$0x1] =	wrdreg $0xFFFFFFFF  }
0xa7: {  	s28 =	simm.s32 $_size_execute0_lowered;
	s3 =	sadd.s32 s3, s5;
	[dreg:$0x0] =	wrdreg $0x0  }
0xa8: {  	s5 =	sshll.u32 s28, $0x1;
	[dreg:$0x2] =	wrdreg s3  }
0xa9: {  	[dreg:$0x3] =	wrdreg s5  }
0xaa: {  	[dreg:$0x4] =	wrdreg $0xC0  }
0xab: {  	_ =	task [dreg:s7], $0x5FFFF  }
0xac: {  	[dreg:$0x1] =	wrdreg $0xFFFFFFFF  }
0xad: {  	[dreg:$0x0] =	wrdreg $0x60  }
0xae: {  	[dreg:$0x2] =	wrdreg s24  }
0xaf: {  	[dreg:$0x3] =	wrdreg s2  }
0xb0: {  	[dreg:$0x4] =	wrdreg $0x9  }
0xb1: {  	_ =	task.clear_ibuf [dreg:s7], $0x5FFFF;
	_ =	strace $0x90000046  }
0xb2: {  	s29 =	simm.s32 $0x9;
	_ =	strace $0x80000048  }
0xb3: {  	_ =	swait.ge [sflag:s29], $0x1  }
0xb4: {  	[sflag:s29] =	ssyncadd.s32 $0xFFFFFFFF  }
0xb5: {  	_ =	strace $0x90000048  }
0xb6: {  	_ =	sfence  }
0xb7: {  	s30 =	sld [smem:$0x0];
	_ =	sdelay $0x2  }
0xb8: {  	s31 =	sshll.u32 s1, $0xD;
	s1 =	sshrl.u32 s1, $0x2  }
0xb9: {  	s3 =	sand.u32 $0x4000, s31;
	s1 =	sadd.s32 s1, s30  }
0xba: {  	s0 =	sor.u32 s3, s0;
	s1 =	sshll.u32 s1, $0x11  }
0xbb: {  	s0 =	sor.u32 s1, s0  }
0xbc: {  	s0 =	sadd.s32 $0x8F2B, s0  }
0xbd: {  	[sflag:s0] =	ssyncadd.remote.s32 $0x1  }
0xbe: {  	_ =	sfence.sel $0xFFFF  }
0xbf: {  	[dreg:$0x0] =	wrdreg $0xFFFFFFFF;
	(pc) =	sbr.abs _section_cstart, $3  }
0xc0: {  	[dreg:$0x1] =	wrdreg $0xFFFFFFFF  }
0xc1: {  	_ =	task.clear_ibuf [dreg:s7], $0x2FFFF;
	_ =	strace $0x9FFFFFFF  }
0xc2: {  	(tm) =	ssettm $0x7FFFFFFF  }
0xc3: {  	_ =	shalt  }
tec
execute0_lowered:
.L_overlay_start_1:
0x0: {  	(tag) =	ssettag $0x1  }
0x1: {  	s0 =	rddreg [dreg:$0x0]  }
0x2: {  	s1 =	rddreg [dreg:$0x1];
	s2 =	simm.s32 $0x0  }
0x3: {  	s5 =	srdreg.scid;
	s11 =	stileid.u32;
	s13 =	simm.s32 $0x2  }
0x4: {  	s14 =	simm.s32 $0x100;
	s15 =	simm.s32 $0x200;
	s16 =	simm.s32 $0x38  }
0x5: {  	s17 =	simm.s32 $0x300;
	s18 =	simm.s32 $0x3B00;
	s19 =	simm.s32 $0x80  }
0x6: {  	s20 =	simm.s32 $0x1F00;
	s21 =	simm.s32 $0x180;
	s22 =	simm.s32 $0x5700  }
0x7: {  	s23 =	simm.s32 $0x1;
	s24 =	simm.s32 $0x7300;
	[smem:$0x7FF] =	sst s2  }
0x8: {  	s3 =	sadd.s32 $0x600, s0;
	s4 =	sadd.s32 $0x4600, s0;
	s5 =	sand.u32 $0x1, s5  }
0x9: {  	s6 =	sadd.s32 $0x193000, s0;
	s7 =	sadd.s32 $0xC600, s0;
	s9 =	ssub.s32 $0x2, s5  }
0xa: {  	s8 =	sadd.s32 $0x8600, s0;
	s11 =	sshll.u32 s11, $0x6;
	s10 =	sshrl.u32 s9, $0x1  }
0xb: {  	s0 =	sadd.s32 $0x197000, s0;
	_ =	strace $0x80000047;
	s31 =	ssub.s32 s9, s10  }
0xc: {  	s5 =	sshll.u32 s5, $0x5;
	[dreg:$0x3] =	wrdreg s0;
	s0 =	smax.u32 s31, $0x1  }
0xd: {  	s10 =	sor.u32 s5, s11;
	s5 =	simm.s32 $0x0;
	[dreg:$0x4] =	wrdreg s0  }
.LBB2_1:
0xe: {  	[dreg:$0x5] =	wrdreg s5  }
0xf: {  	s0 =	rddreg [dreg:$0x3];
	s31 =	simm.s32 $0x13B00  }
0x10: {  	[tilespmem:s31], [sflag:$0x2] =	stream.linear.gather [hbm4b:s0+s2], $0x1900, $0x38;
	[tilespmem:$0x15700] =	vst v63  }
0x11: {  	_ =	swait.ge [sflag:s13], $0x1900  }
0x12: {  	[sflag:s13] =	ssyncset.done $0x0  }
0x13: {  	s26 =	simm.s32 $0x0;
	[sflag:s13] =	ssyncadd.s32 $0xFFFFE700  }
.LBB2_2:
0x14: {  	s0 =	sshll.u32 s26, $0x1  }
0x15: {  	s28 =	sadd.s32 s10, s0  }
0x16: {  	s5 =	sshll.u32 s26, $0x5;
	s0 =	sshll.u32 s28, $0x4  }
0x17: {  	s5 =	sand.u32 $0x60, s5;
	s0 =	sand.u32 $0x3F80, s0  }
0x18: {  	s0 =	sor.u32 s5, s0  }
0x19: {  	s29 =	simm.s32 $0x0;
	s5 =	sadd.s32 s3, s0  }
0x1a: {  	[tilespmem:s29], [sflag:$0x2] =	stream.linear.gather [hbm4b:s5+s29], $0x100, $0x38;
	[tilespmem:$0x15700] =	vst v63  }
0x1b: {  	_ =	swait.ge [sflag:s13], $0x100  }
0x1c: {  	[sflag:s13] =	ssyncset.done $0x0  }
0x1d: {  	s25 =	sadd.s32 s4, s0;
	[sflag:s13] =	ssyncadd.s32 $0xFFFFFF00  }
0x1e: {  	[tilespmem:s14], [sflag:$0x2] =	stream.linear.gather [hbm4b:s25+s29], $0x100, $0x38;
	[tilespmem:$0x15700] =	vst v63  }
0x1f: {  	_ =	swait.ge [sflag:s13], $0x100  }
0x20: {  	[sflag:s13] =	ssyncset.done $0x0  }
0x21: {  	s0 =	sadd.s32 s6, s0;
	[sflag:s13] =	ssyncadd.s32 $0xFFFFFF00  }
0x22: {  	[tilespmem:s15], [sflag:$0x2] =	stream.linear.gather [hbm4b:s0+s29], $0x100, $0x38;
	[tilespmem:$0x15700] =	vst v63  }
0x23: {  	_ =	swait.ge [sflag:s13], $0x100  }
0x24: {  	[sflag:s13] =	ssyncset.done $0x0  }
0x25: {  	[sflag:s13] =	ssyncadd.s32 $0xFFFFFF00  }
0x26: {  	[tilespmem:s17], [sflag:$0x1] =	stream.indirect.gather [hbm4b:s7+s16], $0x80, s29, s16, $0xb8;
	[tilespmem:$0x15700] =	vst v63  }
0x27: {  	_ = 	snop  }
0x28: {  	[tilespmem:s18], [sflag:$0x1] =	stream.indirect.gather [hbm4b:s8+s16], $0x80, s14, s16, $0xb8;
	[tilespmem:$0x15700] =	vst v63  }
0x29: {  	_ = 	snop  }
0x2a: {  	[tilespmem:s20], [sflag:$0x1] =	stream.indirect.gather [hbm4b:s7+s16], $0x80, s19, s16, $0xb8;
	[tilespmem:$0x15700] =	vst v63  }
0x2b: {  	_ = 	snop  }
0x2c: {  	[tilespmem:s22], [sflag:$0x1] =	stream.indirect.gather [hbm4b:s8+s16], $0x80, s21, s16, $0xb8;
	[tilespmem:$0x15700] =	vst v63  }
0x2d: {  	_ =	swait.ge [sflag:s23], $0x1C00  }
0x2e: {  	[sflag:s23] =	ssyncset.done $0x0  }
0x2f: {  	[sflag:s23] =	ssyncadd.s32 $0xFFFFE400  }
0x30: {  	_ =	swait.ge [sflag:s23], $0x1C00  }
0x31: {  	[sflag:s23] =	ssyncset.done $0x0  }
0x32: {  	[sflag:s23] =	ssyncadd.s32 $0xFFFFE400  }
0x33: {  	_ =	swait.ge [sflag:s23], $0x1C00  }
0x34: {  	[sflag:s23] =	ssyncset.done $0x0  }
0x35: {  	[sflag:s23] =	ssyncadd.s32 $0xFFFFE400  }
0x36: {  	_ =	swait.ge [sflag:s23], $0x1C00  }
0x37: {  	v1 =	vmov s29;
	[sflag:s23] =	ssyncset.done $0x0  }
0x38: {  	s30 =	simm.s32 $0x5730;
	v0 =	vadd.s32 $0x38, v1;
	[sflag:s23] =	ssyncadd.s32 $0xFFFFE400  }
0x39: {  	s31 =	simm.s32 $0x13B20;
	v2 =	vld [tilespmem:s30+$0xFFFFE3D0]  }
0x3a: {  	s0 =	simm.s32 $0x1F30;
	v3 =	vld [tilespmem:s31+$0xFFFFFFE0]  }
0x3b: {  	v4 =	vld [tilespmem:s0+$0xFFFFE3D0]  }
0x3c: {  	v5 =	vld.idx.msk [tilespmem:v1+s15+$0x0], $0xffff  }
0x3d: {  	v6 =	vld.idx.msk [tilespmem:v0+s15+$0x0], $0xffff;
	_ =	sdelay $0x1  }
0x3e: {  	v0 =	vld [tilespmem:s31+$0x10];
	v2 =	vadd.f32 v2, v3  }
0x3f: {  	s5 =	simm.s32 $0x0;
	v7 =	vld [tilespmem:s31+$0x0];
	v4 =	vadd.f32 v4, v3  }
0x40: {  	v8 =	vld [tilespmem:s31+$0xFFFFFFF0];
	[tilespmem:s5+$0x7380] =	vst v2;
	v2 =	vadd.f32 v5, v3  }
0x41: {  	[tilespmem:s5+$0x7300] =	vst v4;
	v4 =	vadd.f32 v6, v3  }
0x42: {  	[tilespmem:s5+$0x7400] =	vst v2  }
0x43: {  	[tilespmem:s5+$0x7480] =	vst v4  }
0x44: {  	v2 =	vld [tilespmem:s0+$0xFFFFE3E0]  }
0x45: {  	v4 =	vld [tilespmem:s30+$0xFFFFE3E0];
	_ =	sdelay $0x1  }
0x46: {  	v9 =	vadd.f32 v6, v8  }
0x47: {  	v10 =	vadd.f32 v5, v8  }
0x48: {  	[tilespmem:s5+$0x7490] =	vst v9;
	v2 =	vadd.f32 v2, v8  }
0x49: {  	[tilespmem:s5+$0x7410] =	vst v10;
	v4 =	vadd.f32 v4, v8  }
0x4a: {  	[tilespmem:s5+$0x7310] =	vst v2  }
0x4b: {  	[tilespmem:s5+$0x7390] =	vst v4  }
0x4c: {  	v2 =	vld [tilespmem:s0+$0xFFFFE3F0]  }
0x4d: {  	v4 =	vld [tilespmem:s30+$0xFFFFE3F0];
	_ =	sdelay $0x1  }
0x4e: {  	v59 =	vadd.f32 v6, v7  }
0x4f: {  	v60 =	vadd.f32 v5, v7  }
0x50: {  	[tilespmem:s5+$0x74A0] =	vst v59;
	v2 =	vadd.f32 v2, v7  }
0x51: {  	[tilespmem:s5+$0x7420] =	vst v60;
	v4 =	vadd.f32 v4, v7  }
0x52: {  	[tilespmem:s5+$0x7320] =	vst v2  }
0x53: {  	[tilespmem:s5+$0x73A0] =	vst v4  }
0x54: {  	v2 =	vld [tilespmem:s0+$0xFFFFE400]  }
0x55: {  	v4 =	vld [tilespmem:s30+$0xFFFFE400];
	_ =	sdelay $0x1  }
0x56: {  	v5 =	vadd.f32 v5, v0  }
0x57: {  	v6 =	vadd.f32 v6, v0  }
0x58: {  	[tilespmem:s5+$0x7430] =	vst v5;
	v2 =	vadd.f32 v2, v0  }
0x59: {  	[tilespmem:s5+$0x74B0] =	vst v6;
	v5 =	vadd.s32 $0xB8, v1;
	v4 =	vadd.f32 v4, v0  }
0x5a: {  	v1 =	vor.u32 $0x80, v1;
	[tilespmem:s5+$0x7330] =	vst v2  }
0x5b: {  	[tilespmem:s5+$0x73B0] =	vst v4  }
0x5c: {  	v2 =	vld [tilespmem:s30+$0xFFFFFFD0]  }
0x5d: {  	v4 =	vld [tilespmem:s0+$0xFFFFFFD0]  }
0x5e: {  	v5 =	vld.idx.msk [tilespmem:v5+s15+$0x0], $0xffff  }
0x5f: {  	v1 =	vld.idx.msk [tilespmem:v1+s15+$0x0], $0xffff;
	_ =	sdelay $0x1  }
0x60: {  	v2 =	vadd.f32 v2, v3  }
0x61: {  	v4 =	vadd.f32 v4, v3  }
0x62: {  	[tilespmem:s5+$0xD780] =	vst v2;
	v2 =	vadd.f32 v5, v3  }
0x63: {  	[tilespmem:s5+$0xD700] =	vst v4;
	v3 =	vadd.f32 v1, v3  }
0x64: {  	[tilespmem:s5+$0xD880] =	vst v2  }
0x65: {  	[tilespmem:s5+$0xD800] =	vst v3  }
0x66: {  	v2 =	vld [tilespmem:s0+$0xFFFFFFE0]  }
0x67: {  	v3 =	vld [tilespmem:s30+$0xFFFFFFE0];
	_ =	sdelay $0x1  }
0x68: {  	v4 =	vadd.f32 v1, v8  }
0x69: {  	v61 =	vadd.f32 v5, v8  }
0x6a: {  	[tilespmem:s5+$0xD810] =	vst v4;
	v2 =	vadd.f32 v2, v8  }
0x6b: {  	[tilespmem:s5+$0xD890] =	vst v61;
	v3 =	vadd.f32 v3, v8  }
0x6c: {  	[tilespmem:s5+$0xD710] =	vst v2  }
0x6d: {  	[tilespmem:s5+$0xD790] =	vst v3  }
0x6e: {  	v2 =	vld [tilespmem:s0+$0xFFFFFFF0];
	_ =	sdelay $0x1  }
0x6f: {  	v4 =	vld [tilespmem:s30+$0xFFFFFFF0]  }
0x70: {  	v62 =	vadd.f32 v5, v7  }
0x71: {  	v3 =	vadd.f32 v1, v7  }
0x72: {  	[tilespmem:s5+$0xD8A0] =	vst v62;
	v63 =	vadd.f32 v2, v7  }
0x73: {  	[tilespmem:s5+$0xD820] =	vst v3;
	v3 =	vadd.f32 v5, v0  }
0x74: {  	s12 =	simm.s32 $0x800;
	s11 =	simm.s32 $0x57B0;
	s9 =	simm.s32 $0x1F30;
	v2 =	vadd.f32 v1, v0;
	v1 =	vadd.f32 v4, v7;
	[tilespmem:s5+$0xD720] =	vst v63  }
.LBB2_3:
0x75: {  	s29 =	sadd.s32 $0x1, s29  }
0x76: {  	[tilespmem:s5+$0xD7A0] =	vst v1;
	s31 =	sadd.s32 $0x80, s31;
	s0 =	sadd.s32 $0x80, s0;
	s25 =	smov.u32 s12  }
0x77: {  	p0 =	sne.s32 s12, $0x18800;
	s12 =	sadd.s32 $0x800, s12;
	v1 =	vld [tilespmem:s9+$0x0];
	s9 =	smov.u32 s0  }
0x78: {  	v4 =	vld [tilespmem:s30+$0x0];
	s30 =	smov.u32 s11  }
0x79: {  	[tilespmem:s5+$0xD830] =	vst v2  }
0x7a: {  	[tilespmem:s5+$0xD8B0] =	vst v3;
	_ =	sdelay $0x1  }
0x7b: {  	v1 =	vadd.f32 v1, v0  }
0x7c: {  	v0 =	vadd.f32 v4, v0  }
0x7d: {  	v2 =	vmov s29;
	[tilespmem:s5+$0xD730] =	vst v1  }
0x7e: {  	v1 =	vadd.s32 $0x38, v2;
	[tilespmem:s5+$0xD7B0] =	vst v0  }
0x7f: {  	v3 =	vld [tilespmem:s11+$0xFFFFE3D0]  }
0x80: {  	v4 =	vld [tilespmem:s0+$0xFFFFE3D0]  }
0x81: {  	v5 =	vld [tilespmem:s31+$0xFFFFFFE0]  }
0x82: {  	v6 =	vld.idx.msk [tilespmem:v2+s15+$0x0], $0xffff  }
0x83: {  	v7 =	vld.idx.msk [tilespmem:v1+s15+$0x0], $0xffff;
	_ =	sdelay $0x1  }
0x84: {  	v0 =	vld [tilespmem:s31+$0x10]  }
0x85: {  	v1 =	vld [tilespmem:s31+$0x0];
	v4 =	vadd.f32 v4, v5;
	v3 =	vadd.f32 v3, v5  }
0x86: {  	s5 =	sshra.s32 s25, $0x2;
	v8 =	vld [tilespmem:s31+$0xFFFFFFF0]  }
0x87: {  	[tilespmem:s5+$0x7380] =	vst v3;
	v3 =	vadd.f32 v6, v5  }
0x88: {  	[tilespmem:s5+$0x7300] =	vst v4;
	v4 =	vadd.f32 v7, v5  }
0x89: {  	[tilespmem:s5+$0x7400] =	vst v3;
	v3 =	vadd.f32 v6, v0;
	v9 =	vadd.f32 v7, v0  }
0x8a: {  	[tilespmem:s5+$0x7480] =	vst v4;
	v4 =	vadd.f32 v6, v1;
	v10 =	vadd.f32 v7, v1  }
0x8b: {  	v11 =	vld [tilespmem:s0+$0xFFFFE3E0];
	v6 =	vadd.f32 v6, v8  }
0x8c: {  	v12 =	vld [tilespmem:s11+$0xFFFFE3E0];
	_ =	sdelay $0x1  }
0x8d: {  	v7 =	vadd.f32 v7, v8;
	_ =	sdelay $0x1  }
0x8e: {  	v11 =	vadd.f32 v11, v8;
	[tilespmem:s5+$0x7490] =	vst v7  }
0x8f: {  	v7 =	vadd.f32 v12, v8;
	[tilespmem:s5+$0x7410] =	vst v6  }
0x90: {  	[tilespmem:s5+$0x7310] =	vst v11  }
0x91: {  	[tilespmem:s5+$0x7390] =	vst v7  }
0x92: {  	v6 =	vld [tilespmem:s0+$0xFFFFE3F0]  }
0x93: {  	v7 =	vld [tilespmem:s11+$0xFFFFE3F0];
	_ =	sdelay $0x3  }
0x94: {  	v6 =	vadd.f32 v6, v1;
	[tilespmem:s5+$0x74A0] =	vst v10  }
0x95: {  	v7 =	vadd.f32 v7, v1;
	[tilespmem:s5+$0x7420] =	vst v4  }
0x96: {  	[tilespmem:s5+$0x7320] =	vst v6  }
0x97: {  	[tilespmem:s5+$0x73A0] =	vst v7  }
0x98: {  	v4 =	vld [tilespmem:s0+$0xFFFFE400]  }
0x99: {  	v6 =	vld [tilespmem:s11+$0xFFFFE400]  }
0x9a: {  	[tilespmem:s5+$0x7430] =	vst v3  }
0x9b: {  	[tilespmem:s5+$0x74B0] =	vst v9;
	_ =	sdelay $0x1  }
0x9c: {  	v3 =	vadd.f32 v4, v0  }
0x9d: {  	v4 =	vadd.f32 v6, v0;
	v6 =	vadd.s32 $0xB8, v2  }
0x9e: {  	v2 =	vor.u32 $0x80, v2;
	[tilespmem:s5+$0x7330] =	vst v3  }
0x9f: {  	[tilespmem:s5+$0x73B0] =	vst v4  }
0xa0: {  	v3 =	vld [tilespmem:s11+$0xFFFFFFD0]  }
0xa1: {  	v4 =	vld [tilespmem:s0+$0xFFFFFFD0]  }
0xa2: {  	v6 =	vld.idx.msk [tilespmem:v6+s15+$0x0], $0xffff  }
0xa3: {  	v2 =	vld.idx.msk [tilespmem:v2+s15+$0x0], $0xffff;
	_ =	sdelay $0x1  }
0xa4: {  	v3 =	vadd.f32 v3, v5  }
0xa5: {  	v4 =	vadd.f32 v4, v5  }
0xa6: {  	[tilespmem:s5+$0xD780] =	vst v3  }
0xa7: {  	v3 =	vadd.f32 v6, v5;
	[tilespmem:s5+$0xD700] =	vst v4;
	v4 =	vadd.f32 v6, v1  }
0xa8: {  	v5 =	vadd.f32 v2, v5;
	v7 =	vadd.f32 v2, v8  }
0xa9: {  	v9 =	vadd.f32 v2, v1;
	v2 =	vadd.f32 v2, v0;
	[tilespmem:s5+$0xD880] =	vst v3  }
0xaa: {  	v3 =	vadd.f32 v6, v0;
	[tilespmem:s5+$0xD800] =	vst v5  }
0xab: {  	v5 =	vld [tilespmem:s0+$0xFFFFFFE0]  }
0xac: {  	v6 =	vadd.f32 v6, v8;
	v10 =	vld [tilespmem:s11+$0xFFFFFFE0]  }
0xad: {  	[tilespmem:s5+$0xD810] =	vst v7  }
0xae: {  	[tilespmem:s5+$0xD890] =	vst v6;
	_ =	sdelay $0x1  }
0xaf: {  	v5 =	vadd.f32 v5, v8  }
0xb0: {  	v6 =	vadd.f32 v10, v8  }
0xb1: {  	[tilespmem:s5+$0xD710] =	vst v5  }
0xb2: {  	[tilespmem:s5+$0xD790] =	vst v6  }
0xb3: {  	v5 =	vld [tilespmem:s0+$0xFFFFFFF0]  }
0xb4: {  	v6 =	vld [tilespmem:s11+$0xFFFFFFF0]  }
0xb5: {  	[tilespmem:s5+$0xD820] =	vst v9  }
.Ltmp0:
0xb6: {  	[tilespmem:s5+$0xD8A0] =	vst v4;
	(pc) =	sbr.rel @p0 .LBB2_3-.Ltmp0, $4  }
0xb7: {  	_ = 	snop  }
0xb8: {  	v4 =	vadd.f32 v5, v1  }
0xb9: {  	v1 =	vadd.f32 v6, v1  }
0xba: {  	s11 =	sadd.s32 $0x80, s11;
	[tilespmem:s5+$0xD720] =	vst v4  }
0xbb: {  	[tilespmem:s5+$0xD7A0] =	vst v1  }
0xbc: {  	v1 =	vld [tilespmem:s9+$0x0]  }
0xbd: {  	v4 =	vld [tilespmem:s30+$0x0];
	_ =	sdelay $0x3  }
0xbe: {  	[tilespmem:s5+$0xD830] =	vst v2;
	v1 =	vadd.f32 v1, v0  }
0xbf: {  	s0 =	smul.u32 $0xC80, s28;
	s26 =	sadd.s32 $0x1, s26;
	[tilespmem:s5+$0xD8B0] =	vst v3;
	v63 =	vadd.f32 v4, v0  }
0xc0: {  	p0 =	sne.s32 s26, $0x10;
	[tilespmem:s5+$0xD730] =	vst v1  }
.Ltmp1:
0xc1: {  	s0 =	sadd.s32 s1, s0;
	[tilespmem:s5+$0xD7B0] =	vst v63;
	(pc) =	sbr.rel @p0 .LBB2_2-.Ltmp1, $4  }
0xc2: {  	[hbm4b:s0+s2] =	stream.linear.scatter [tilespmem:s24], [sflag:$0x2], $0xC800, $0x38;
	[tilespmem:$0x15700] =	vst v63  }
0xc3: {  	_ =	swait.ge [sflag:s13], $0xC800  }
0xc4: {  	[sflag:s13] =	ssyncset.done $0x0  }
0xc5: {  	[sflag:s13] =	ssyncadd.s32 $0xFFFF3800  }
0xc6: {  	s5 =	rddreg [dreg:$0x5]  }
0xc7: {  	s0 =	rddreg [dreg:$0x4];
	s5 =	sadd.s32 $0x1, s5  }
0xc8: {  	p0 =	sne.s32 s5, s0  }
.Ltmp2:
0xc9: {  	_ = 	snop;
	(pc) =	sbr.rel @p0 .LBB2_1-.Ltmp2, $1  }
0xca: {  	_ =	sdelay $0x3  }
0xcb: {  	_ =	sfence.sel $0x180000  }
0xcc: {  	[bflag:$0x0] =	sbarrier.arrive $0xFFFF  }
0xcd: {  	_ =	strace $0x90000047  }
0xce: {  	s0 =	stileid.u32;
	[bflag:$0x2] =	sbarrier.arrive $0xFFFF  }
0xcf: {  	p0 =	sne.s32 s0, $0x0;
	s0 =	rddreg [dreg:$0x2]  }
0xd0: {  	s0 =	sadd.s32 @!p0 $0x100000, s0  }
0xd1: {  	[sflag:s0] =	ssyncadd.tile.s32 @!p0 $0x1;
	_ =	shalt  }
.Lfunc_end2:
_tile_overlayer_lowered:
.L_overlay_start_2:
0xd2: {  	(tag) =	ssettag $0x2  }
0xd3: {  	s0 =	rddreg [dreg:$0x0];
	s2 =	stileid.u32  }
0xd4: {  	s1 =	rddreg [dreg:$0x1];
	p0 =	sne.s32 s2, $0x0  }
0xd5: {  	s3 =	rddreg [dreg:$0x2];
	[bflag:$0x3] =	sbarrier.arrive $0xFFFF;
	s2 =	simm.s32 @!p0 $0x1C02  }
0xd6: {  	[timem:s3], [sflag:s2] =	dma.local @!p0 [hbm:s0], s1  }
0xd7: {  	s0 =	simm.s32 @!p0 $0x2  }
0xd8: {  	_ =	swait.ge @!p0 [sflag:s0], s1  }
0xd9: {  	s1 =	ssub.s32 @!p0 $0x0, s1;
	[sflag:s0] =	ssyncset.done @!p0 $0x0  }
0xda: {  	[sflag:s0] =	ssyncadd.s32 @!p0 s1  }
0xdb: {  	[bflag:$0x3] =	sbarrier.arrive $0xFFFF  }
0xdc: {  	_ =	shalt  }

</sc_bundles>
